<compile_context>
chip_gen: v7x
topology: tpu7x:2x2x1
jax: 0.10.2.dev20260603
libtpu: 0.0.44.dev20260713+nightly
codegen_flags: <defaults>
</compile_context>

<pallas_src>
import functools

import jax
import jax.numpy as jnp
from jax import lax
from jax.experimental import pallas as pl
from jax.experimental.pallas import tpu as pltpu
from jax.experimental.pallas import tpu_sc as plsc

_N = 16777216
_NC = 2
_NS = 16
_NW = _NC * _NS
_L = 16

_BUF = 16384
_U = 8

_SC_STEPS = 4
_SC_CHUNK = _SC_STEPS * _BUF
_SC_ELEMS = _NW * _SC_CHUNK
_TC_ELEMS = _N - _SC_ELEMS
_PAIRS = _SC_STEPS // 2

_TC_COLS = 128
_TC_BR = 8192
_TC_GRID = _TC_ELEMS // (_TC_BR * _TC_COLS)
assert _TC_GRID * _TC_BR * _TC_COLS == _TC_ELEMS


def _compute_buf(xref, yref, accs):
    def inner(i, accs):
        a0, a1, a2, a3 = accs
        b = i * (_U * _L)
        ts = []
        for u in range(_U):
            x = xref[pl.ds(b + u * _L, _L)]
            y = yref[pl.ds(b + u * _L, _L)]
            ts.append(jnp.where(y != 0.0, jnp.abs(x - y), jnp.float32(0.0)))
        a0 = (a0 + ts[0]) + ts[4]
        a1 = (a1 + ts[1]) + ts[5]
        a2 = (a2 + ts[2]) + ts[6]
        a3 = (a3 + ts[3]) + ts[7]
        return (a0, a1, a2, a3)

    return lax.fori_loop(0, _BUF // (_U * _L), inner, accs)


def _make_sc_kernel():
    mesh = plsc.VectorSubcoreMesh(core_axis_name="c", subcore_axis_name="s")

    @functools.partial(
        pl.kernel,
        mesh=mesh,
        out_type=jax.ShapeDtypeStruct((_NW, _L), jnp.float32),
        scratch_types=[
            pltpu.VMEM((_BUF,), jnp.float32),
            pltpu.VMEM((_BUF,), jnp.float32),
            pltpu.VMEM((_BUF,), jnp.float32),
            pltpu.VMEM((_BUF,), jnp.float32),
            pltpu.VMEM((_L,), jnp.float32),
            pltpu.SemaphoreType.DMA,
            pltpu.SemaphoreType.DMA,
            pltpu.SemaphoreType.DMA,
            pltpu.SemaphoreType.DMA,
        ],
    )
    def l1_sc_partial(x_hbm, y_hbm, out_hbm, xb0, yb0, xb1, yb1, accb,
                      sx0, sy0, sx1, sy1):
        wid = lax.axis_index("s") * _NC + lax.axis_index("c")
        base = _TC_ELEMS + wid * _SC_CHUNK

        def start(step, xb, yb, sx, sy):
            off = base + step * _BUF
            pltpu.async_copy(x_hbm.at[pl.ds(off, _BUF)], xb, sx)
            pltpu.async_copy(y_hbm.at[pl.ds(off, _BUF)], yb, sy)

        def drain(xb, yb, sx, sy):
            pltpu.make_async_copy(x_hbm.at[pl.ds(0, _BUF)], xb, sx).wait()
            pltpu.make_async_copy(y_hbm.at[pl.ds(0, _BUF)], yb, sy).wait()

        start(0, xb0, yb0, sx0, sy0)
        start(1, xb1, yb1, sx1, sy1)

        z = jnp.zeros((_L,), jnp.float32)
        accs = (z, z, z, z)

        def pair_body(g, accs):
            drain(xb0, yb0, sx0, sy0)
            accs = _compute_buf(xb0, yb0, accs)
            start(2 * g + 2, xb0, yb0, sx0, sy0)
            drain(xb1, yb1, sx1, sy1)
            accs = _compute_buf(xb1, yb1, accs)
            start(2 * g + 3, xb1, yb1, sx1, sy1)
            return accs

        accs = lax.fori_loop(0, _PAIRS - 1, pair_body, accs)
        drain(xb0, yb0, sx0, sy0)
        accs = _compute_buf(xb0, yb0, accs)
        drain(xb1, yb1, sx1, sy1)
        accs = _compute_buf(xb1, yb1, accs)

        acc = (accs[0] + accs[1]) + (accs[2] + accs[3])
        accb[...] = acc
        pltpu.sync_copy(accb, out_hbm.at[wid])

    return l1_sc_partial


_l1_sc_partial = _make_sc_kernel()


def _tc_body(x_ref, y_ref, acc_ref, out_ref):
    i = pl.program_id(0)

    @pl.when(i == 0)
    def _():
        acc_ref[...] = jnp.zeros_like(acc_ref)

    x = x_ref[...]
    y = y_ref[...]
    t = jnp.where(y != 0.0, jnp.abs(x - y), jnp.float32(0.0))
    acc_ref[...] += jnp.sum(t.reshape(_TC_BR // 8, 8, _TC_COLS), axis=0)

    @pl.when(i == pl.num_programs(0) - 1)
    def _():
        out_ref[0] = jnp.sum(acc_ref[...])


_l1_tc_head = pl.pallas_call(
    _tc_body,
    grid=(_TC_GRID,),
    in_specs=[
        pl.BlockSpec((_TC_BR, _TC_COLS), lambda i: (i, 0)),
        pl.BlockSpec((_TC_BR, _TC_COLS), lambda i: (i, 0)),
    ],
    out_specs=[
        pl.BlockSpec((8, _TC_COLS), lambda i: (0, 0)),
        pl.BlockSpec(memory_space=pltpu.SMEM),
    ],
    out_shape=[
        jax.ShapeDtypeStruct((8, _TC_COLS), jnp.float32),
        jax.ShapeDtypeStruct((1,), jnp.float32),
    ],
)

@jax.jit
def kernel(X, Y):
    sc_part = _l1_sc_partial(X, Y)
    X2 = X.reshape(_N // _TC_COLS, _TC_COLS)
    Y2 = Y.reshape(_N // _TC_COLS, _TC_COLS)
    tc_scalar = _l1_tc_head(X2, Y2)[1]
    return tc_scalar[0] + jnp.sum(sc_part)

# --- scband reference (transcript-rebuilt; emitter-appended) ---
"""Pipeline reference for scband-l1-loss-zero-5712306504420 (READ-ONLY COPY).

The authoritative reference and input builder live on the scoring server;
editing this copy changes nothing except your own understanding.
"""

import jax, jax.numpy as jnp
import numpy as np

N = 16777216

def setup_inputs(seed: int = 0) -> dict:
    key = jax.random.key(seed)
    kx, ky = jax.random.split(key)
    X = jax.random.normal(kx, (N,), dtype=jnp.float32)
    Y = jax.random.normal(ky, (N,), dtype=jnp.float32)
    return {"X": X, "Y": Y}

def reference(X, Y):
    # torch.nonzero(Y, as_tuple=False) -> [nnz, ndim] coordinate matrix.
    # For 1-D Y this is [nnz, 1] with flat indices, matching torch.take semantics.
    # Fixed-shape masked equivalent: the gather selects X[i], Y[i] at indices
    # where Y[i] != 0 (ascending order) and sums |X[i] - Y[i]|; masking the
    # per-element error to 0 at excluded positions yields the identical sum.
    mask = Y.ravel() != 0
    diff = X.ravel() + (-Y.ravel())
    error = jnp.abs(diff)
    loss = jnp.sum(jnp.where(mask, error, jnp.float32(0)))
    return loss

if __name__ == "__main__":
    import jax
    _d = setup_inputs()
    print(jax.jit(kernel)(*tuple(_d.values())))

</pallas_src>

<mosaic_0001>
#map = affine_map<(d0, d1) -> (0)>
#map1 = affine_map<(d0, d1) -> (0, 0)>
module attributes {stable_mosaic.version = 14 : i64} {
  func.func @l1_sc_partial(%arg0: i32, %arg1: i32, %arg2: memref<16777216xf32, #tpu.memory_space<hbm>>, %arg3: memref<16777216xf32, #tpu.memory_space<hbm>>, %arg4: memref<32x16xf32, #tpu.memory_space<hbm>>, %arg5: memref<16384xf32, #tpu.memory_space<vmem>>, %arg6: memref<16384xf32, #tpu.memory_space<vmem>>, %arg7: memref<16384xf32, #tpu.memory_space<vmem>>, %arg8: memref<16384xf32, #tpu.memory_space<vmem>>, %arg9: memref<16xf32, #tpu.memory_space<vmem>>, %arg10: memref<!tpu.dma_semaphore, #tpu.memory_space<semaphore_mem>>, %arg11: memref<!tpu.dma_semaphore, #tpu.memory_space<semaphore_mem>>, %arg12: memref<!tpu.dma_semaphore, #tpu.memory_space<semaphore_mem>>, %arg13: memref<!tpu.dma_semaphore, #tpu.memory_space<semaphore_mem>>) attributes {dimension_semantics = [#tpu.dimension_semantics<core_parallel>, #tpu.dimension_semantics<subcore_parallel>], iteration_bounds = array<i64: 2, 16>, scalar_prefetch = 0 : i64, scratch_operands = 9 : i64, tpu.core_type = #tpu.core_type<sc_vector_subcore>, window_params = [{transform_indices = #map}, {transform_indices = #map}, {transform_indices = #map1}]} {
    %mul3A = arith.constant 2 : i32
    %mul3A_0 = arith.muli %arg1, %mul3A : i32
    %add3A = arith.addi %mul3A_0, %arg0 : i32
    %mul3A_1 = arith.constant 65536 : i32
    %mul3A_2 = arith.muli %add3A, %mul3A_1 : i32
    %add3A_3 = arith.constant 14680064 : i32
    %add3A_4 = arith.addi %add3A_3, %mul3A_2 : i32
    %add3A_5 = arith.constant 0 : i32
    %add3A_6 = arith.addi %add3A_4, %add3A_5 : i32
    %dma_start3A = tpu.memref_slice %arg2[%add3A_6] : memref<16777216xf32, #tpu.memory_space<hbm>> -> memref<16384xf32, #tpu.memory_space<hbm>>
    %dma_start3A_7 = tpu.memref_slice %arg2[%add3A_6] : memref<16777216xf32, #tpu.memory_space<hbm>> -> memref<16384xf32, #tpu.memory_space<hbm>>
    tpu.enqueue_dma source(%dma_start3A_7 : memref<16384xf32, #tpu.memory_space<hbm>>) target(%arg5 : memref<16384xf32, #tpu.memory_space<vmem>>) target_semaphore(%arg10 : memref<!tpu.dma_semaphore, #tpu.memory_space<semaphore_mem>>)
    %dma_start3A_8 = tpu.memref_slice %arg3[%add3A_6] : memref<16777216xf32, #tpu.memory_space<hbm>> -> memref<16384xf32, #tpu.memory_space<hbm>>
    %dma_start3A_9 = tpu.memref_slice %arg3[%add3A_6] : memref<16777216xf32, #tpu.memory_space<hbm>> -> memref<16384xf32, #tpu.memory_space<hbm>>
    tpu.enqueue_dma source(%dma_start3A_9 : memref<16384xf32, #tpu.memory_space<hbm>>) target(%arg6 : memref<16384xf32, #tpu.memory_space<vmem>>) target_semaphore(%arg11 : memref<!tpu.dma_semaphore, #tpu.memory_space<semaphore_mem>>)
    %add3A_10 = arith.constant 16384 : i32
    %add3A_11 = arith.addi %add3A_4, %add3A_10 : i32
    %dma_start3A_12 = tpu.memref_slice %arg2[%add3A_11] : memref<16777216xf32, #tpu.memory_space<hbm>> -> memref<16384xf32, #tpu.memory_space<hbm>>
    %dma_start3A_13 = tpu.memref_slice %arg2[%add3A_11] : memref<16777216xf32, #tpu.memory_space<hbm>> -> memref<16384xf32, #tpu.memory_space<hbm>>
    tpu.enqueue_dma source(%dma_start3A_13 : memref<16384xf32, #tpu.memory_space<hbm>>) target(%arg7 : memref<16384xf32, #tpu.memory_space<vmem>>) target_semaphore(%arg12 : memref<!tpu.dma_semaphore, #tpu.memory_space<semaphore_mem>>)
    %dma_start3A_14 = tpu.memref_slice %arg3[%add3A_11] : memref<16777216xf32, #tpu.memory_space<hbm>> -> memref<16384xf32, #tpu.memory_space<hbm>>
    %dma_start3A_15 = tpu.memref_slice %arg3[%add3A_11] : memref<16777216xf32, #tpu.memory_space<hbm>> -> memref<16384xf32, #tpu.memory_space<hbm>>
    tpu.enqueue_dma source(%dma_start3A_15 : memref<16384xf32, #tpu.memory_space<hbm>>) target(%arg8 : memref<16384xf32, #tpu.memory_space<vmem>>) target_semaphore(%arg13 : memref<!tpu.dma_semaphore, #tpu.memory_space<semaphore_mem>>)
    %broadcast_in_dim3A = arith.constant 0.000000e+00 : f32
    %broadcast_in_dim3A_16 = vector.broadcast %broadcast_in_dim3A : f32 to vector<16xf32>
    %scan3A = arith.constant 0 : i32
    %dma_wait3A = arith.constant 0 : i32
    %dma_wait3A_17 = tpu.memref_slice %arg2[%dma_wait3A] : memref<16777216xf32, #tpu.memory_space<hbm>> -> memref<16384xf32, #tpu.memory_space<hbm>>
    %dma_wait3A_18 = arith.constant 0 : i32
    %dma_wait3A_19 = tpu.memref_slice %arg2[%dma_wait3A_18] : memref<16777216xf32, #tpu.memory_space<hbm>> -> memref<16384xf32, #tpu.memory_space<hbm>>
    tpu.wait_dma2 semaphore(%arg10 : memref<!tpu.dma_semaphore, #tpu.memory_space<semaphore_mem>>) src(%dma_wait3A_19 : memref<16384xf32, #tpu.memory_space<hbm>>) dst(%arg5 : memref<16384xf32, #tpu.memory_space<vmem>>)
    %dma_wait3A_20 = arith.constant 0 : i32
    %dma_wait3A_21 = tpu.memref_slice %arg3[%dma_wait3A_20] : memref<16777216xf32, #tpu.memory_space<hbm>> -> memref<16384xf32, #tpu.memory_space<hbm>>
    %dma_wait3A_22 = arith.constant 0 : i32
    %dma_wait3A_23 = tpu.memref_slice %arg3[%dma_wait3A_22] : memref<16777216xf32, #tpu.memory_space<hbm>> -> memref<16384xf32, #tpu.memory_space<hbm>>
    tpu.wait_dma2 semaphore(%arg11 : memref<!tpu.dma_semaphore, #tpu.memory_space<semaphore_mem>>) src(%dma_wait3A_23 : memref<16384xf32, #tpu.memory_space<hbm>>) dst(%arg6 : memref<16384xf32, #tpu.memory_space<vmem>>)
    %scan3A_24 = arith.constant 0 : i32
    %scan3A_25 = arith.constant 128 : i32
    %scan3A_26 = arith.addi %scan3A_24, %scan3A_25 : i32
    %scan3A_27 = arith.constant 1 : i32
    %scan3A_28:4 = scf.for %scan3A_101 = %scan3A_24 to %scan3A_26 step %scan3A_27 iter_args(%scan3A_102 = %broadcast_in_dim3A_16, %scan3A_103 = %broadcast_in_dim3A_16, %scan3A_104 = %broadcast_in_dim3A_16, %scan3A_105 = %broadcast_in_dim3A_16) -> (vector<16xf32>, vector<16xf32>, vector<16xf32>, vector<16xf32>)  : i32 {
      %mul3A_106 = arith.constant 128 : i32
      %mul3A_107 = arith.muli %scan3A_101, %mul3A_106 : i32
      %add3A_108 = arith.constant 0 : i32
      %add3A_109 = arith.addi %mul3A_107, %add3A_108 : i32
      %get3A = arith.index_cast %add3A_109 : i32 to index
      %get3A_110 = tpu.vector_load %arg5[%get3A] {strides = array<i32>} : memref<16384xf32, #tpu.memory_space<vmem>>, vector<16xf32>,
      %get3A_111 = vector.shape_cast %get3A_110 : vector<16xf32> to vector<16xf32>
      %add3A_112 = arith.constant 0 : i32
      %add3A_113 = arith.addi %mul3A_107, %add3A_112 : i32
      %get3A_114 = arith.index_cast %add3A_113 : i32 to index
      %get3A_115 = tpu.vector_load %arg6[%get3A_114] {strides = array<i32>} : memref<16384xf32, #tpu.memory_space<vmem>>, vector<16xf32>,
      %get3A_116 = vector.shape_cast %get3A_115 : vector<16xf32> to vector<16xf32>
      %ne3A = arith.constant 0.000000e+00 : f32
      %ne3A_117 = vector.broadcast %ne3A : f32 to vector<16xf32>
      %ne3A_118 = arith.cmpf one, %get3A_116, %ne3A_117 : vector<16xf32>
      %sub3A = arith.subf %get3A_111, %get3A_116 : vector<16xf32>
      %abs3A = math.absf %sub3A : vector<16xf32>
      %jit3A = arith.constant 0.000000e+00 : f32
      %broadcast_in_dim3A_119 = vector.broadcast %jit3A : f32 to vector<16xf32>
      %select_n3A = arith.select %ne3A_118, %abs3A, %broadcast_in_dim3A_119 : vector<16xi1>, vector<16xf32>
      %add3A_120 = arith.constant 16 : i32
      %add3A_121 = arith.addi %mul3A_107, %add3A_120 : i32
      %get3A_122 = arith.index_cast %add3A_121 : i32 to index
      %get3A_123 = tpu.vector_load %arg5[%get3A_122] {strides = array<i32>} : memref<16384xf32, #tpu.memory_space<vmem>>, vector<16xf32>,
      %get3A_124 = vector.shape_cast %get3A_123 : vector<16xf32> to vector<16xf32>
      %add3A_125 = arith.constant 16 : i32
      %add3A_126 = arith.addi %mul3A_107, %add3A_125 : i32
      %get3A_127 = arith.index_cast %add3A_126 : i32 to index
      %get3A_128 = tpu.vector_load %arg6[%get3A_127] {strides = array<i32>} : memref<16384xf32, #tpu.memory_space<vmem>>, vector<16xf32>,
      %get3A_129 = vector.shape_cast %get3A_128 : vector<16xf32> to vector<16xf32>
      %ne3A_130 = arith.constant 0.000000e+00 : f32
      %ne3A_131 = vector.broadcast %ne3A_130 : f32 to vector<16xf32>
      %ne3A_132 = arith.cmpf one, %get3A_129, %ne3A_131 : vector<16xf32>
      %sub3A_133 = arith.subf %get3A_124, %get3A_129 : vector<16xf32>
      %abs3A_134 = math.absf %sub3A_133 : vector<16xf32>
      %jit3A_135 = arith.constant 0.000000e+00 : f32
      %broadcast_in_dim3A_136 = vector.broadcast %jit3A_135 : f32 to vector<16xf32>
      %select_n3A_137 = arith.select %ne3A_132, %abs3A_134, %broadcast_in_dim3A_136 : vector<16xi1>, vector<16xf32>
      %add3A_138 = arith.constant 32 : i32
      %add3A_139 = arith.addi %mul3A_107, %add3A_138 : i32
      %get3A_140 = arith.index_cast %add3A_139 : i32 to index
      %get3A_141 = tpu.vector_load %arg5[%get3A_140] {strides = array<i32>} : memref<16384xf32, #tpu.memory_space<vmem>>, vector<16xf32>,
      %get3A_142 = vector.shape_cast %get3A_141 : vector<16xf32> to vector<16xf32>
      %add3A_143 = arith.constant 32 : i32
      %add3A_144 = arith.addi %mul3A_107, %add3A_143 : i32
      %get3A_145 = arith.index_cast %add3A_144 : i32 to index
      %get3A_146 = tpu.vector_load %arg6[%get3A_145] {strides = array<i32>} : memref<16384xf32, #tpu.memory_space<vmem>>, vector<16xf32>,
      %get3A_147 = vector.shape_cast %get3A_146 : vector<16xf32> to vector<16xf32>
      %ne3A_148 = arith.constant 0.000000e+00 : f32
      %ne3A_149 = vector.broadcast %ne3A_148 : f32 to vector<16xf32>
      %ne3A_150 = arith.cmpf one, %get3A_147, %ne3A_149 : vector<16xf32>
      %sub3A_151 = arith.subf %get3A_142, %get3A_147 : vector<16xf32>
      %abs3A_152 = math.absf %sub3A_151 : vector<16xf32>
      %jit3A_153 = arith.constant 0.000000e+00 : f32
      %broadcast_in_dim3A_154 = vector.broadcast %jit3A_153 : f32 to vector<16xf32>
      %select_n3A_155 = arith.select %ne3A_150, %abs3A_152, %broadcast_in_dim3A_154 : vector<16xi1>, vector<16xf32>
      %add3A_156 = arith.constant 48 : i32
      %add3A_157 = arith.addi %mul3A_107, %add3A_156 : i32
      %get3A_158 = arith.index_cast %add3A_157 : i32 to index
      %get3A_159 = tpu.vector_load %arg5[%get3A_158] {strides = array<i32>} : memref<16384xf32, #tpu.memory_space<vmem>>, vector<16xf32>,
      %get3A_160 = vector.shape_cast %get3A_159 : vector<16xf32> to vector<16xf32>
      %add3A_161 = arith.constant 48 : i32
      %add3A_162 = arith.addi %mul3A_107, %add3A_161 : i32
      %get3A_163 = arith.index_cast %add3A_162 : i32 to index
      %get3A_164 = tpu.vector_load %arg6[%get3A_163] {strides = array<i32>} : memref<16384xf32, #tpu.memory_space<vmem>>, vector<16xf32>,
      %get3A_165 = vector.shape_cast %get3A_164 : vector<16xf32> to vector<16xf32>
      %ne3A_166 = arith.constant 0.000000e+00 : f32
      %ne3A_167 = vector.broadcast %ne3A_166 : f32 to vector<16xf32>
      %ne3A_168 = arith.cmpf one, %get3A_165, %ne3A_167 : vector<16xf32>
      %sub3A_169 = arith.subf %get3A_160, %get3A_165 : vector<16xf32>
      %abs3A_170 = math.absf %sub3A_169 : vector<16xf32>
      %jit3A_171 = arith.constant 0.000000e+00 : f32
      %broadcast_in_dim3A_172 = vector.broadcast %jit3A_171 : f32 to vector<16xf32>
      %select_n3A_173 = arith.select %ne3A_168, %abs3A_170, %broadcast_in_dim3A_172 : vector<16xi1>, vector<16xf32>
      %add3A_174 = arith.constant 64 : i32
      %add3A_175 = arith.addi %mul3A_107, %add3A_174 : i32
      %get3A_176 = arith.index_cast %add3A_175 : i32 to index
      %get3A_177 = tpu.vector_load %arg5[%get3A_176] {strides = array<i32>} : memref<16384xf32, #tpu.memory_space<vmem>>, vector<16xf32>,
      %get3A_178 = vector.shape_cast %get3A_177 : vector<16xf32> to vector<16xf32>
      %add3A_179 = arith.constant 64 : i32
      %add3A_180 = arith.addi %mul3A_107, %add3A_179 : i32
      %get3A_181 = arith.index_cast %add3A_180 : i32 to index
      %get3A_182 = tpu.vector_load %arg6[%get3A_181] {strides = array<i32>} : memref<16384xf32, #tpu.memory_space<vmem>>, vector<16xf32>,
      %get3A_183 = vector.shape_cast %get3A_182 : vector<16xf32> to vector<16xf32>
      %ne3A_184 = arith.constant 0.000000e+00 : f32
      %ne3A_185 = vector.broadcast %ne3A_184 : f32 to vector<16xf32>
      %ne3A_186 = arith.cmpf one, %get3A_183, %ne3A_185 : vector<16xf32>
      %sub3A_187 = arith.subf %get3A_178, %get3A_183 : vector<16xf32>
      %abs3A_188 = math.absf %sub3A_187 : vector<16xf32>
      %jit3A_189 = arith.constant 0.000000e+00 : f32
      %broadcast_in_dim3A_190 = vector.broadcast %jit3A_189 : f32 to vector<16xf32>
      %select_n3A_191 = arith.select %ne3A_186, %abs3A_188, %broadcast_in_dim3A_190 : vector<16xi1>, vector<16xf32>
      %add3A_192 = arith.constant 80 : i32
      %add3A_193 = arith.addi %mul3A_107, %add3A_192 : i32
      %get3A_194 = arith.index_cast %add3A_193 : i32 to index
      %get3A_195 = tpu.vector_load %arg5[%get3A_194] {strides = array<i32>} : memref<16384xf32, #tpu.memory_space<vmem>>, vector<16xf32>,
      %get3A_196 = vector.shape_cast %get3A_195 : vector<16xf32> to vector<16xf32>
      %add3A_197 = arith.constant 80 : i32
      %add3A_198 = arith.addi %mul3A_107, %add3A_197 : i32
      %get3A_199 = arith.index_cast %add3A_198 : i32 to index
      %get3A_200 = tpu.vector_load %arg6[%get3A_199] {strides = array<i32>} : memref<16384xf32, #tpu.memory_space<vmem>>, vector<16xf32>,
      %get3A_201 = vector.shape_cast %get3A_200 : vector<16xf32> to vector<16xf32>
      %ne3A_202 = arith.constant 0.000000e+00 : f32
      %ne3A_203 = vector.broadcast %ne3A_202 : f32 to vector<16xf32>
      %ne3A_204 = arith.cmpf one, %get3A_201, %ne3A_203 : vector<16xf32>
      %sub3A_205 = arith.subf %get3A_196, %get3A_201 : vector<16xf32>
      %abs3A_206 = math.absf %sub3A_205 : vector<16xf32>
      %jit3A_207 = arith.constant 0.000000e+00 : f32
      %broadcast_in_dim3A_208 = vector.broadcast %jit3A_207 : f32 to vector<16xf32>
      %select_n3A_209 = arith.select %ne3A_204, %abs3A_206, %broadcast_in_dim3A_208 : vector<16xi1>, vector<16xf32>
      %add3A_210 = arith.constant 96 : i32
      %add3A_211 = arith.addi %mul3A_107, %add3A_210 : i32
      %get3A_212 = arith.index_cast %add3A_211 : i32 to index
      %get3A_213 = tpu.vector_load %arg5[%get3A_212] {strides = array<i32>} : memref<16384xf32, #tpu.memory_space<vmem>>, vector<16xf32>,
      %get3A_214 = vector.shape_cast %get3A_213 : vector<16xf32> to vector<16xf32>
      %add3A_215 = arith.constant 96 : i32
      %add3A_216 = arith.addi %mul3A_107, %add3A_215 : i32
      %get3A_217 = arith.index_cast %add3A_216 : i32 to index
      %get3A_218 = tpu.vector_load %arg6[%get3A_217] {strides = array<i32>} : memref<16384xf32, #tpu.memory_space<vmem>>, vector<16xf32>,
      %get3A_219 = vector.shape_cast %get3A_218 : vector<16xf32> to vector<16xf32>
      %ne3A_220 = arith.constant 0.000000e+00 : f32
      %ne3A_221 = vector.broadcast %ne3A_220 : f32 to vector<16xf32>
      %ne3A_222 = arith.cmpf one, %get3A_219, %ne3A_221 : vector<16xf32>
      %sub3A_223 = arith.subf %get3A_214, %get3A_219 : vector<16xf32>
      %abs3A_224 = math.absf %sub3A_223 : vector<16xf32>
      %jit3A_225 = arith.constant 0.000000e+00 : f32
      %broadcast_in_dim3A_226 = vector.broadcast %jit3A_225 : f32 to vector<16xf32>
      %select_n3A_227 = arith.select %ne3A_222, %abs3A_224, %broadcast_in_dim3A_226 : vector<16xi1>, vector<16xf32>
      %add3A_228 = arith.constant 112 : i32
      %add3A_229 = arith.addi %mul3A_107, %add3A_228 : i32
      %get3A_230 = arith.index_cast %add3A_229 : i32 to index
      %get3A_231 = tpu.vector_load %arg5[%get3A_230] {strides = array<i32>} : memref<16384xf32, #tpu.memory_space<vmem>>, vector<16xf32>,
      %get3A_232 = vector.shape_cast %get3A_231 : vector<16xf32> to vector<16xf32>
      %add3A_233 = arith.constant 112 : i32
      %add3A_234 = arith.addi %mul3A_107, %add3A_233 : i32
      %get3A_235 = arith.index_cast %add3A_234 : i32 to index
      %get3A_236 = tpu.vector_load %arg6[%get3A_235] {strides = array<i32>} : memref<16384xf32, #tpu.memory_space<vmem>>, vector<16xf32>,
      %get3A_237 = vector.shape_cast %get3A_236 : vector<16xf32> to vector<16xf32>
      %ne3A_238 = arith.constant 0.000000e+00 : f32
      %ne3A_239 = vector.broadcast %ne3A_238 : f32 to vector<16xf32>
      %ne3A_240 = arith.cmpf one, %get3A_237, %ne3A_239 : vector<16xf32>
      %sub3A_241 = arith.subf %get3A_232, %get3A_237 : vector<16xf32>
      %abs3A_242 = math.absf %sub3A_241 : vector<16xf32>
      %jit3A_243 = arith.constant 0.000000e+00 : f32
      %broadcast_in_dim3A_244 = vector.broadcast %jit3A_243 : f32 to vector<16xf32>
      %select_n3A_245 = arith.select %ne3A_240, %abs3A_242, %broadcast_in_dim3A_244 : vector<16xi1>, vector<16xf32>
      %add3A_246 = arith.addf %scan3A_102, %select_n3A : vector<16xf32>
      %add3A_247 = arith.addf %add3A_246, %select_n3A_191 : vector<16xf32>
      %add3A_248 = arith.addf %scan3A_103, %select_n3A_137 : vector<16xf32>
      %add3A_249 = arith.addf %add3A_248, %select_n3A_209 : vector<16xf32>
      %add3A_250 = arith.addf %scan3A_104, %select_n3A_155 : vector<16xf32>
      %add3A_251 = arith.addf %add3A_250, %select_n3A_227 : vector<16xf32>
      %add3A_252 = arith.addf %scan3A_105, %select_n3A_173 : vector<16xf32>
      %add3A_253 = arith.addf %add3A_252, %select_n3A_245 : vector<16xf32>
      scf.yield %add3A_247, %add3A_249, %add3A_251, %add3A_253 : vector<16xf32>, vector<16xf32>, vector<16xf32>, vector<16xf32>
    }
    %scan3A_29 = arith.constant 128 : i32
    %mul3A_30 = arith.constant 2 : i32
    %mul3A_31 = arith.muli %mul3A_30, %scan3A : i32
    %add3A_32 = arith.constant 2 : i32
    %add3A_33 = arith.addi %mul3A_31, %add3A_32 : i32
    %mul3A_34 = arith.constant 16384 : i32
    %mul3A_35 = arith.muli %add3A_33, %mul3A_34 : i32
    %add3A_36 = arith.addi %add3A_4, %mul3A_35 : i32
    %dma_start3A_37 = tpu.memref_slice %arg2[%add3A_36] : memref<16777216xf32, #tpu.memory_space<hbm>> -> memref<16384xf32, #tpu.memory_space<hbm>>
    %dma_start3A_38 = tpu.memref_slice %arg2[%add3A_36] : memref<16777216xf32, #tpu.memory_space<hbm>> -> memref<16384xf32, #tpu.memory_space<hbm>>
    tpu.enqueue_dma source(%dma_start3A_38 : memref<16384xf32, #tpu.memory_space<hbm>>) target(%arg5 : memref<16384xf32, #tpu.memory_space<vmem>>) target_semaphore(%arg10 : memref<!tpu.dma_semaphore, #tpu.memory_space<semaphore_mem>>)
    %dma_start3A_39 = tpu.memref_slice %arg3[%add3A_36] : memref<16777216xf32, #tpu.memory_space<hbm>> -> memref<16384xf32, #tpu.memory_space<hbm>>
    %dma_start3A_40 = tpu.memref_slice %arg3[%add3A_36] : memref<16777216xf32, #tpu.memory_space<hbm>> -> memref<16384xf32, #tpu.memory_space<hbm>>
    tpu.enqueue_dma source(%dma_start3A_40 : memref<16384xf32, #tpu.memory_space<hbm>>) target(%arg6 : memref<16384xf32, #tpu.memory_space<vmem>>) target_semaphore(%arg11 : memref<!tpu.dma_semaphore, #tpu.memory_space<semaphore_mem>>)
    %dma_wait3A_41 = arith.constant 0 : i32
    %dma_wait3A_42 = tpu.memref_slice %arg2[%dma_wait3A_41] : memref<16777216xf32, #tpu.memory_space<hbm>> -> memref<16384xf32, #tpu.memory_space<hbm>>
    %dma_wait3A_43 = arith.constant 0 : i32
    %dma_wait3A_44 = tpu.memref_slice %arg2[%dma_wait3A_43] : memref<16777216xf32, #tpu.memory_space<hbm>> -> memref<16384xf32, #tpu.memory_space<hbm>>
    tpu.wait_dma2 semaphore(%arg12 : memref<!tpu.dma_semaphore, #tpu.memory_space<semaphore_mem>>) src(%dma_wait3A_44 : memref<16384xf32, #tpu.memory_space<hbm>>) dst(%arg7 : memref<16384xf32, #tpu.memory_space<vmem>>)
    %dma_wait3A_45 = arith.constant 0 : i32
    %dma_wait3A_46 = tpu.memref_slice %arg3[%dma_wait3A_45] : memref<16777216xf32, #tpu.memory_space<hbm>> -> memref<16384xf32, #tpu.memory_space<hbm>>
    %dma_wait3A_47 = arith.constant 0 : i32
    %dma_wait3A_48 = tpu.memref_slice %arg3[%dma_wait3A_47] : memref<16777216xf32, #tpu.memory_space<hbm>> -> memref<16384xf32, #tpu.memory_space<hbm>>
    tpu.wait_dma2 semaphore(%arg13 : memref<!tpu.dma_semaphore, #tpu.memory_space<semaphore_mem>>) src(%dma_wait3A_48 : memref<16384xf32, #tpu.memory_space<hbm>>) dst(%arg8 : memref<16384xf32, #tpu.memory_space<vmem>>)
    %scan3A_49 = arith.constant 0 : i32
    %scan3A_50 = arith.constant 128 : i32
    %scan3A_51 = arith.addi %scan3A_49, %scan3A_50 : i32
    %scan3A_52 = arith.constant 1 : i32
    %scan3A_53:4 = scf.for %scan3A_101 = %scan3A_49 to %scan3A_51 step %scan3A_52 iter_args(%scan3A_102 = %scan3A_28#0, %scan3A_103 = %scan3A_28#1, %scan3A_104 = %scan3A_28#2, %scan3A_105 = %scan3A_28#3) -> (vector<16xf32>, vector<16xf32>, vector<16xf32>, vector<16xf32>)  : i32 {
      %mul3A_106 = arith.constant 128 : i32
      %mul3A_107 = arith.muli %scan3A_101, %mul3A_106 : i32
      %add3A_108 = arith.constant 0 : i32
      %add3A_109 = arith.addi %mul3A_107, %add3A_108 : i32
      %get3A = arith.index_cast %add3A_109 : i32 to index
      %get3A_110 = tpu.vector_load %arg7[%get3A] {strides = array<i32>} : memref<16384xf32, #tpu.memory_space<vmem>>, vector<16xf32>,
      %get3A_111 = vector.shape_cast %get3A_110 : vector<16xf32> to vector<16xf32>
      %add3A_112 = arith.constant 0 : i32
      %add3A_113 = arith.addi %mul3A_107, %add3A_112 : i32
      %get3A_114 = arith.index_cast %add3A_113 : i32 to index
      %get3A_115 = tpu.vector_load %arg8[%get3A_114] {strides = array<i32>} : memref<16384xf32, #tpu.memory_space<vmem>>, vector<16xf32>,
      %get3A_116 = vector.shape_cast %get3A_115 : vector<16xf32> to vector<16xf32>
      %ne3A = arith.constant 0.000000e+00 : f32
      %ne3A_117 = vector.broadcast %ne3A : f32 to vector<16xf32>
      %ne3A_118 = arith.cmpf one, %get3A_116, %ne3A_117 : vector<16xf32>
      %sub3A = arith.subf %get3A_111, %get3A_116 : vector<16xf32>
      %abs3A = math.absf %sub3A : vector<16xf32>
      %jit3A = arith.constant 0.000000e+00 : f32
      %broadcast_in_dim3A_119 = vector.broadcast %jit3A : f32 to vector<16xf32>
      %select_n3A = arith.select %ne3A_118, %abs3A, %broadcast_in_dim3A_119 : vector<16xi1>, vector<16xf32>
      %add3A_120 = arith.constant 16 : i32
      %add3A_121 = arith.addi %mul3A_107, %add3A_120 : i32
      %get3A_122 = arith.index_cast %add3A_121 : i32 to index
      %get3A_123 = tpu.vector_load %arg7[%get3A_122] {strides = array<i32>} : memref<16384xf32, #tpu.memory_space<vmem>>, vector<16xf32>,
      %get3A_124 = vector.shape_cast %get3A_123 : vector<16xf32> to vector<16xf32>
      %add3A_125 = arith.constant 16 : i32
      %add3A_126 = arith.addi %mul3A_107, %add3A_125 : i32
      %get3A_127 = arith.index_cast %add3A_126 : i32 to index
      %get3A_128 = tpu.vector_load %arg8[%get3A_127] {strides = array<i32>} : memref<16384xf32, #tpu.memory_space<vmem>>, vector<16xf32>,
      %get3A_129 = vector.shape_cast %get3A_128 : vector<16xf32> to vector<16xf32>
      %ne3A_130 = arith.constant 0.000000e+00 : f32
      %ne3A_131 = vector.broadcast %ne3A_130 : f32 to vector<16xf32>
      %ne3A_132 = arith.cmpf one, %get3A_129, %ne3A_131 : vector<16xf32>
      %sub3A_133 = arith.subf %get3A_124, %get3A_129 : vector<16xf32>
      %abs3A_134 = math.absf %sub3A_133 : vector<16xf32>
      %jit3A_135 = arith.constant 0.000000e+00 : f32
      %broadcast_in_dim3A_136 = vector.broadcast %jit3A_135 : f32 to vector<16xf32>
      %select_n3A_137 = arith.select %ne3A_132, %abs3A_134, %broadcast_in_dim3A_136 : vector<16xi1>, vector<16xf32>
      %add3A_138 = arith.constant 32 : i32
      %add3A_139 = arith.addi %mul3A_107, %add3A_138 : i32
      %get3A_140 = arith.index_cast %add3A_139 : i32 to index
      %get3A_141 = tpu.vector_load %arg7[%get3A_140] {strides = array<i32>} : memref<16384xf32, #tpu.memory_space<vmem>>, vector<16xf32>,
      %get3A_142 = vector.shape_cast %get3A_141 : vector<16xf32> to vector<16xf32>
      %add3A_143 = arith.constant 32 : i32
      %add3A_144 = arith.addi %mul3A_107, %add3A_143 : i32
      %get3A_145 = arith.index_cast %add3A_144 : i32 to index
      %get3A_146 = tpu.vector_load %arg8[%get3A_145] {strides = array<i32>} : memref<16384xf32, #tpu.memory_space<vmem>>, vector<16xf32>,
      %get3A_147 = vector.shape_cast %get3A_146 : vector<16xf32> to vector<16xf32>
      %ne3A_148 = arith.constant 0.000000e+00 : f32
      %ne3A_149 = vector.broadcast %ne3A_148 : f32 to vector<16xf32>
      %ne3A_150 = arith.cmpf one, %get3A_147, %ne3A_149 : vector<16xf32>
      %sub3A_151 = arith.subf %get3A_142, %get3A_147 : vector<16xf32>
      %abs3A_152 = math.absf %sub3A_151 : vector<16xf32>
      %jit3A_153 = arith.constant 0.000000e+00 : f32
      %broadcast_in_dim3A_154 = vector.broadcast %jit3A_153 : f32 to vector<16xf32>
      %select_n3A_155 = arith.select %ne3A_150, %abs3A_152, %broadcast_in_dim3A_154 : vector<16xi1>, vector<16xf32>
      %add3A_156 = arith.constant 48 : i32
      %add3A_157 = arith.addi %mul3A_107, %add3A_156 : i32
      %get3A_158 = arith.index_cast %add3A_157 : i32 to index
      %get3A_159 = tpu.vector_load %arg7[%get3A_158] {strides = array<i32>} : memref<16384xf32, #tpu.memory_space<vmem>>, vector<16xf32>,
      %get3A_160 = vector.shape_cast %get3A_159 : vector<16xf32> to vector<16xf32>
      %add3A_161 = arith.constant 48 : i32
      %add3A_162 = arith.addi %mul3A_107, %add3A_161 : i32
      %get3A_163 = arith.index_cast %add3A_162 : i32 to index
      %get3A_164 = tpu.vector_load %arg8[%get3A_163] {strides = array<i32>} : memref<16384xf32, #tpu.memory_space<vmem>>, vector<16xf32>,
      %get3A_165 = vector.shape_cast %get3A_164 : vector<16xf32> to vector<16xf32>
      %ne3A_166 = arith.constant 0.000000e+00 : f32
      %ne3A_167 = vector.broadcast %ne3A_166 : f32 to vector<16xf32>
      %ne3A_168 = arith.cmpf one, %get3A_165, %ne3A_167 : vector<16xf32>
      %sub3A_169 = arith.subf %get3A_160, %get3A_165 : vector<16xf32>
      %abs3A_170 = math.absf %sub3A_169 : vector<16xf32>
      %jit3A_171 = arith.constant 0.000000e+00 : f32
      %broadcast_in_dim3A_172 = vector.broadcast %jit3A_171 : f32 to vector<16xf32>
      %select_n3A_173 = arith.select %ne3A_168, %abs3A_170, %broadcast_in_dim3A_172 : vector<16xi1>, vector<16xf32>
      %add3A_174 = arith.constant 64 : i32
      %add3A_175 = arith.addi %mul3A_107, %add3A_174 : i32
      %get3A_176 = arith.index_cast %add3A_175 : i32 to index
      %get3A_177 = tpu.vector_load %arg7[%get3A_176] {strides = array<i32>} : memref<16384xf32, #tpu.memory_space<vmem>>, vector<16xf32>,
      %get3A_178 = vector.shape_cast %get3A_177 : vector<16xf32> to vector<16xf32>
      %add3A_179 = arith.constant 64 : i32
      %add3A_180 = arith.addi %mul3A_107, %add3A_179 : i32
      %get3A_181 = arith.index_cast %add3A_180 : i32 to index
      %get3A_182 = tpu.vector_load %arg8[%get3A_181] {strides = array<i32>} : memref<16384xf32, #tpu.memory_space<vmem>>, vector<16xf32>,
      %get3A_183 = vector.shape_cast %get3A_182 : vector<16xf32> to vector<16xf32>
      %ne3A_184 = arith.constant 0.000000e+00 : f32
      %ne3A_185 = vector.broadcast %ne3A_184 : f32 to vector<16xf32>
      %ne3A_186 = arith.cmpf one, %get3A_183, %ne3A_185 : vector<16xf32>
      %sub3A_187 = arith.subf %get3A_178, %get3A_183 : vector<16xf32>
      %abs3A_188 = math.absf %sub3A_187 : vector<16xf32>
      %jit3A_189 = arith.constant 0.000000e+00 : f32
      %broadcast_in_dim3A_190 = vector.broadcast %jit3A_189 : f32 to vector<16xf32>
      %select_n3A_191 = arith.select %ne3A_186, %abs3A_188, %broadcast_in_dim3A_190 : vector<16xi1>, vector<16xf32>
      %add3A_192 = arith.constant 80 : i32
      %add3A_193 = arith.addi %mul3A_107, %add3A_192 : i32
      %get3A_194 = arith.index_cast %add3A_193 : i32 to index
      %get3A_195 = tpu.vector_load %arg7[%get3A_194] {strides = array<i32>} : memref<16384xf32, #tpu.memory_space<vmem>>, vector<16xf32>,
      %get3A_196 = vector.shape_cast %get3A_195 : vector<16xf32> to vector<16xf32>
      %add3A_197 = arith.constant 80 : i32
      %add3A_198 = arith.addi %mul3A_107, %add3A_197 : i32
      %get3A_199 = arith.index_cast %add3A_198 : i32 to index
      %get3A_200 = tpu.vector_load %arg8[%get3A_199] {strides = array<i32>} : memref<16384xf32, #tpu.memory_space<vmem>>, vector<16xf32>,
      %get3A_201 = vector.shape_cast %get3A_200 : vector<16xf32> to vector<16xf32>
      %ne3A_202 = arith.constant 0.000000e+00 : f32
      %ne3A_203 = vector.broadcast %ne3A_202 : f32 to vector<16xf32>
      %ne3A_204 = arith.cmpf one, %get3A_201, %ne3A_203 : vector<16xf32>
      %sub3A_205 = arith.subf %get3A_196, %get3A_201 : vector<16xf32>
      %abs3A_206 = math.absf %sub3A_205 : vector<16xf32>
      %jit3A_207 = arith.constant 0.000000e+00 : f32
      %broadcast_in_dim3A_208 = vector.broadcast %jit3A_207 : f32 to vector<16xf32>
      %select_n3A_209 = arith.select %ne3A_204, %abs3A_206, %broadcast_in_dim3A_208 : vector<16xi1>, vector<16xf32>
      %add3A_210 = arith.constant 96 : i32
      %add3A_211 = arith.addi %mul3A_107, %add3A_210 : i32
      %get3A_212 = arith.index_cast %add3A_211 : i32 to index
      %get3A_213 = tpu.vector_load %arg7[%get3A_212] {strides = array<i32>} : memref<16384xf32, #tpu.memory_space<vmem>>, vector<16xf32>,
      %get3A_214 = vector.shape_cast %get3A_213 : vector<16xf32> to vector<16xf32>
      %add3A_215 = arith.constant 96 : i32
      %add3A_216 = arith.addi %mul3A_107, %add3A_215 : i32
      %get3A_217 = arith.index_cast %add3A_216 : i32 to index
      %get3A_218 = tpu.vector_load %arg8[%get3A_217] {strides = array<i32>} : memref<16384xf32, #tpu.memory_space<vmem>>, vector<16xf32>,
      %get3A_219 = vector.shape_cast %get3A_218 : vector<16xf32> to vector<16xf32>
      %ne3A_220 = arith.constant 0.000000e+00 : f32
      %ne3A_221 = vector.broadcast %ne3A_220 : f32 to vector<16xf32>
      %ne3A_222 = arith.cmpf one, %get3A_219, %ne3A_221 : vector<16xf32>
      %sub3A_223 = arith.subf %get3A_214, %get3A_219 : vector<16xf32>
      %abs3A_224 = math.absf %sub3A_223 : vector<16xf32>
      %jit3A_225 = arith.constant 0.000000e+00 : f32
      %broadcast_in_dim3A_226 = vector.broadcast %jit3A_225 : f32 to vector<16xf32>
      %select_n3A_227 = arith.select %ne3A_222, %abs3A_224, %broadcast_in_dim3A_226 : vector<16xi1>, vector<16xf32>
      %add3A_228 = arith.constant 112 : i32
      %add3A_229 = arith.addi %mul3A_107, %add3A_228 : i32
      %get3A_230 = arith.index_cast %add3A_229 : i32 to index
      %get3A_231 = tpu.vector_load %arg7[%get3A_230] {strides = array<i32>} : memref<16384xf32, #tpu.memory_space<vmem>>, vector<16xf32>,
      %get3A_232 = vector.shape_cast %get3A_231 : vector<16xf32> to vector<16xf32>
      %add3A_233 = arith.constant 112 : i32
      %add3A_234 = arith.addi %mul3A_107, %add3A_233 : i32
      %get3A_235 = arith.index_cast %add3A_234 : i32 to index
      %get3A_236 = tpu.vector_load %arg8[%get3A_235] {strides = array<i32>} : memref<16384xf32, #tpu.memory_space<vmem>>, vector<16xf32>,
      %get3A_237 = vector.shape_cast %get3A_236 : vector<16xf32> to vector<16xf32>
      %ne3A_238 = arith.constant 0.000000e+00 : f32
      %ne3A_239 = vector.broadcast %ne3A_238 : f32 to vector<16xf32>
      %ne3A_240 = arith.cmpf one, %get3A_237, %ne3A_239 : vector<16xf32>
      %sub3A_241 = arith.subf %get3A_232, %get3A_237 : vector<16xf32>
      %abs3A_242 = math.absf %sub3A_241 : vector<16xf32>
      %jit3A_243 = arith.constant 0.000000e+00 : f32
      %broadcast_in_dim3A_244 = vector.broadcast %jit3A_243 : f32 to vector<16xf32>
      %select_n3A_245 = arith.select %ne3A_240, %abs3A_242, %broadcast_in_dim3A_244 : vector<16xi1>, vector<16xf32>
      %add3A_246 = arith.addf %scan3A_102, %select_n3A : vector<16xf32>
      %add3A_247 = arith.addf %add3A_246, %select_n3A_191 : vector<16xf32>
      %add3A_248 = arith.addf %scan3A_103, %select_n3A_137 : vector<16xf32>
      %add3A_249 = arith.addf %add3A_248, %select_n3A_209 : vector<16xf32>
      %add3A_250 = arith.addf %scan3A_104, %select_n3A_155 : vector<16xf32>
      %add3A_251 = arith.addf %add3A_250, %select_n3A_227 : vector<16xf32>
      %add3A_252 = arith.addf %scan3A_105, %select_n3A_173 : vector<16xf32>
      %add3A_253 = arith.addf %add3A_252, %select_n3A_245 : vector<16xf32>
      scf.yield %add3A_247, %add3A_249, %add3A_251, %add3A_253 : vector<16xf32>, vector<16xf32>, vector<16xf32>, vector<16xf32>
    }
    %scan3A_54 = arith.constant 128 : i32
    %mul3A_55 = arith.constant 2 : i32
    %mul3A_56 = arith.muli %mul3A_55, %scan3A : i32
    %add3A_57 = arith.constant 3 : i32
    %add3A_58 = arith.addi %mul3A_56, %add3A_57 : i32
    %mul3A_59 = arith.constant 16384 : i32
    %mul3A_60 = arith.muli %add3A_58, %mul3A_59 : i32
    %add3A_61 = arith.addi %add3A_4, %mul3A_60 : i32
    %dma_start3A_62 = tpu.memref_slice %arg2[%add3A_61] : memref<16777216xf32, #tpu.memory_space<hbm>> -> memref<16384xf32, #tpu.memory_space<hbm>>
    %dma_start3A_63 = tpu.memref_slice %arg2[%add3A_61] : memref<16777216xf32, #tpu.memory_space<hbm>> -> memref<16384xf32, #tpu.memory_space<hbm>>
    tpu.enqueue_dma source(%dma_start3A_63 : memref<16384xf32, #tpu.memory_space<hbm>>) target(%arg7 : memref<16384xf32, #tpu.memory_space<vmem>>) target_semaphore(%arg12 : memref<!tpu.dma_semaphore, #tpu.memory_space<semaphore_mem>>)
    %dma_start3A_64 = tpu.memref_slice %arg3[%add3A_61] : memref<16777216xf32, #tpu.memory_space<hbm>> -> memref<16384xf32, #tpu.memory_space<hbm>>
    %dma_start3A_65 = tpu.memref_slice %arg3[%add3A_61] : memref<16777216xf32, #tpu.memory_space<hbm>> -> memref<16384xf32, #tpu.memory_space<hbm>>
    tpu.enqueue_dma source(%dma_start3A_65 : memref<16384xf32, #tpu.memory_space<hbm>>) target(%arg8 : memref<16384xf32, #tpu.memory_space<vmem>>) target_semaphore(%arg13 : memref<!tpu.dma_semaphore, #tpu.memory_space<semaphore_mem>>)
    %scan3A_66 = arith.constant 1 : i32
    %dma_wait3A_67 = arith.constant 0 : i32
    %dma_wait3A_68 = tpu.memref_slice %arg2[%dma_wait3A_67] : memref<16777216xf32, #tpu.memory_space<hbm>> -> memref<16384xf32, #tpu.memory_space<hbm>>
    %dma_wait3A_69 = arith.constant 0 : i32
    %dma_wait3A_70 = tpu.memref_slice %arg2[%dma_wait3A_69] : memref<16777216xf32, #tpu.memory_space<hbm>> -> memref<16384xf32, #tpu.memory_space<hbm>>
    tpu.wait_dma2 semaphore(%arg10 : memref<!tpu.dma_semaphore, #tpu.memory_space<semaphore_mem>>) src(%dma_wait3A_70 : memref<16384xf32, #tpu.memory_space<hbm>>) dst(%arg5 : memref<16384xf32, #tpu.memory_space<vmem>>)
    %dma_wait3A_71 = arith.constant 0 : i32
    %dma_wait3A_72 = tpu.memref_slice %arg3[%dma_wait3A_71] : memref<16777216xf32, #tpu.memory_space<hbm>> -> memref<16384xf32, #tpu.memory_space<hbm>>
    %dma_wait3A_73 = arith.constant 0 : i32
    %dma_wait3A_74 = tpu.memref_slice %arg3[%dma_wait3A_73] : memref<16777216xf32, #tpu.memory_space<hbm>> -> memref<16384xf32, #tpu.memory_space<hbm>>
    tpu.wait_dma2 semaphore(%arg11 : memref<!tpu.dma_semaphore, #tpu.memory_space<semaphore_mem>>) src(%dma_wait3A_74 : memref<16384xf32, #tpu.memory_space<hbm>>) dst(%arg6 : memref<16384xf32, #tpu.memory_space<vmem>>)
    %scan3A_75 = arith.constant 0 : i32
    %scan3A_76 = arith.constant 128 : i32
    %scan3A_77 = arith.addi %scan3A_75, %scan3A_76 : i32
    %scan3A_78 = arith.constant 1 : i32
    %scan3A_79:4 = scf.for %scan3A_101 = %scan3A_75 to %scan3A_77 step %scan3A_78 iter_args(%scan3A_102 = %scan3A_53#0, %scan3A_103 = %scan3A_53#1, %scan3A_104 = %scan3A_53#2, %scan3A_105 = %scan3A_53#3) -> (vector<16xf32>, vector<16xf32>, vector<16xf32>, vector<16xf32>)  : i32 {
      %mul3A_106 = arith.constant 128 : i32
      %mul3A_107 = arith.muli %scan3A_101, %mul3A_106 : i32
      %add3A_108 = arith.constant 0 : i32
      %add3A_109 = arith.addi %mul3A_107, %add3A_108 : i32
      %get3A = arith.index_cast %add3A_109 : i32 to index
      %get3A_110 = tpu.vector_load %arg5[%get3A] {strides = array<i32>} : memref<16384xf32, #tpu.memory_space<vmem>>, vector<16xf32>,
      %get3A_111 = vector.shape_cast %get3A_110 : vector<16xf32> to vector<16xf32>
      %add3A_112 = arith.constant 0 : i32
      %add3A_113 = arith.addi %mul3A_107, %add3A_112 : i32
      %get3A_114 = arith.index_cast %add3A_113 : i32 to index
      %get3A_115 = tpu.vector_load %arg6[%get3A_114] {strides = array<i32>} : memref<16384xf32, #tpu.memory_space<vmem>>, vector<16xf32>,
      %get3A_116 = vector.shape_cast %get3A_115 : vector<16xf32> to vector<16xf32>
      %ne3A = arith.constant 0.000000e+00 : f32
      %ne3A_117 = vector.broadcast %ne3A : f32 to vector<16xf32>
      %ne3A_118 = arith.cmpf one, %get3A_116, %ne3A_117 : vector<16xf32>
      %sub3A = arith.subf %get3A_111, %get3A_116 : vector<16xf32>
      %abs3A = math.absf %sub3A : vector<16xf32>
      %jit3A = arith.constant 0.000000e+00 : f32
      %broadcast_in_dim3A_119 = vector.broadcast %jit3A : f32 to vector<16xf32>
      %select_n3A = arith.select %ne3A_118, %abs3A, %broadcast_in_dim3A_119 : vector<16xi1>, vector<16xf32>
      %add3A_120 = arith.constant 16 : i32
      %add3A_121 = arith.addi %mul3A_107, %add3A_120 : i32
      %get3A_122 = arith.index_cast %add3A_121 : i32 to index
      %get3A_123 = tpu.vector_load %arg5[%get3A_122] {strides = array<i32>} : memref<16384xf32, #tpu.memory_space<vmem>>, vector<16xf32>,
      %get3A_124 = vector.shape_cast %get3A_123 : vector<16xf32> to vector<16xf32>
      %add3A_125 = arith.constant 16 : i32
      %add3A_126 = arith.addi %mul3A_107, %add3A_125 : i32
      %get3A_127 = arith.index_cast %add3A_126 : i32 to index
      %get3A_128 = tpu.vector_load %arg6[%get3A_127] {strides = array<i32>} : memref<16384xf32, #tpu.memory_space<vmem>>, vector<16xf32>,
      %get3A_129 = vector.shape_cast %get3A_128 : vector<16xf32> to vector<16xf32>
      %ne3A_130 = arith.constant 0.000000e+00 : f32
      %ne3A_131 = vector.broadcast %ne3A_130 : f32 to vector<16xf32>
      %ne3A_132 = arith.cmpf one, %get3A_129, %ne3A_131 : vector<16xf32>
      %sub3A_133 = arith.subf %get3A_124, %get3A_129 : vector<16xf32>
      %abs3A_134 = math.absf %sub3A_133 : vector<16xf32>
      %jit3A_135 = arith.constant 0.000000e+00 : f32
      %broadcast_in_dim3A_136 = vector.broadcast %jit3A_135 : f32 to vector<16xf32>
      %select_n3A_137 = arith.select %ne3A_132, %abs3A_134, %broadcast_in_dim3A_136 : vector<16xi1>, vector<16xf32>
      %add3A_138 = arith.constant 32 : i32
      %add3A_139 = arith.addi %mul3A_107, %add3A_138 : i32
      %get3A_140 = arith.index_cast %add3A_139 : i32 to index
      %get3A_141 = tpu.vector_load %arg5[%get3A_140] {strides = array<i32>} : memref<16384xf32, #tpu.memory_space<vmem>>, vector<16xf32>,
      %get3A_142 = vector.shape_cast %get3A_141 : vector<16xf32> to vector<16xf32>
      %add3A_143 = arith.constant 32 : i32
      %add3A_144 = arith.addi %mul3A_107, %add3A_143 : i32
      %get3A_145 = arith.index_cast %add3A_144 : i32 to index
      %get3A_146 = tpu.vector_load %arg6[%get3A_145] {strides = array<i32>} : memref<16384xf32, #tpu.memory_space<vmem>>, vector<16xf32>,
      %get3A_147 = vector.shape_cast %get3A_146 : vector<16xf32> to vector<16xf32>
      %ne3A_148 = arith.constant 0.000000e+00 : f32
      %ne3A_149 = vector.broadcast %ne3A_148 : f32 to vector<16xf32>
      %ne3A_150 = arith.cmpf one, %get3A_147, %ne3A_149 : vector<16xf32>
      %sub3A_151 = arith.subf %get3A_142, %get3A_147 : vector<16xf32>
      %abs3A_152 = math.absf %sub3A_151 : vector<16xf32>
      %jit3A_153 = arith.constant 0.000000e+00 : f32
      %broadcast_in_dim3A_154 = vector.broadcast %jit3A_153 : f32 to vector<16xf32>
      %select_n3A_155 = arith.select %ne3A_150, %abs3A_152, %broadcast_in_dim3A_154 : vector<16xi1>, vector<16xf32>
      %add3A_156 = arith.constant 48 : i32
      %add3A_157 = arith.addi %mul3A_107, %add3A_156 : i32
      %get3A_158 = arith.index_cast %add3A_157 : i32 to index
      %get3A_159 = tpu.vector_load %arg5[%get3A_158] {strides = array<i32>} : memref<16384xf32, #tpu.memory_space<vmem>>, vector<16xf32>,
      %get3A_160 = vector.shape_cast %get3A_159 : vector<16xf32> to vector<16xf32>
      %add3A_161 = arith.constant 48 : i32
      %add3A_162 = arith.addi %mul3A_107, %add3A_161 : i32
      %get3A_163 = arith.index_cast %add3A_162 : i32 to index
      %get3A_164 = tpu.vector_load %arg6[%get3A_163] {strides = array<i32>} : memref<16384xf32, #tpu.memory_space<vmem>>, vector<16xf32>,
      %get3A_165 = vector.shape_cast %get3A_164 : vector<16xf32> to vector<16xf32>
      %ne3A_166 = arith.constant 0.000000e+00 : f32
      %ne3A_167 = vector.broadcast %ne3A_166 : f32 to vector<16xf32>
      %ne3A_168 = arith.cmpf one, %get3A_165, %ne3A_167 : vector<16xf32>
      %sub3A_169 = arith.subf %get3A_160, %get3A_165 : vector<16xf32>
      %abs3A_170 = math.absf %sub3A_169 : vector<16xf32>
      %jit3A_171 = arith.constant 0.000000e+00 : f32
      %broadcast_in_dim3A_172 = vector.broadcast %jit3A_171 : f32 to vector<16xf32>
      %select_n3A_173 = arith.select %ne3A_168, %abs3A_170, %broadcast_in_dim3A_172 : vector<16xi1>, vector<16xf32>
      %add3A_174 = arith.constant 64 : i32
      %add3A_175 = arith.addi %mul3A_107, %add3A_174 : i32
      %get3A_176 = arith.index_cast %add3A_175 : i32 to index
      %get3A_177 = tpu.vector_load %arg5[%get3A_176] {strides = array<i32>} : memref<16384xf32, #tpu.memory_space<vmem>>, vector<16xf32>,
      %get3A_178 = vector.shape_cast %get3A_177 : vector<16xf32> to vector<16xf32>
      %add3A_179 = arith.constant 64 : i32
      %add3A_180 = arith.addi %mul3A_107, %add3A_179 : i32
      %get3A_181 = arith.index_cast %add3A_180 : i32 to index
      %get3A_182 = tpu.vector_load %arg6[%get3A_181] {strides = array<i32>} : memref<16384xf32, #tpu.memory_space<vmem>>, vector<16xf32>,
      %get3A_183 = vector.shape_cast %get3A_182 : vector<16xf32> to vector<16xf32>
      %ne3A_184 = arith.constant 0.000000e+00 : f32
      %ne3A_185 = vector.broadcast %ne3A_184 : f32 to vector<16xf32>
      %ne3A_186 = arith.cmpf one, %get3A_183, %ne3A_185 : vector<16xf32>
      %sub3A_187 = arith.subf %get3A_178, %get3A_183 : vector<16xf32>
      %abs3A_188 = math.absf %sub3A_187 : vector<16xf32>
      %jit3A_189 = arith.constant 0.000000e+00 : f32
      %broadcast_in_dim3A_190 = vector.broadcast %jit3A_189 : f32 to vector<16xf32>
      %select_n3A_191 = arith.select %ne3A_186, %abs3A_188, %broadcast_in_dim3A_190 : vector<16xi1>, vector<16xf32>
      %add3A_192 = arith.constant 80 : i32
      %add3A_193 = arith.addi %mul3A_107, %add3A_192 : i32
      %get3A_194 = arith.index_cast %add3A_193 : i32 to index
      %get3A_195 = tpu.vector_load %arg5[%get3A_194] {strides = array<i32>} : memref<16384xf32, #tpu.memory_space<vmem>>, vector<16xf32>,
      %get3A_196 = vector.shape_cast %get3A_195 : vector<16xf32> to vector<16xf32>
      %add3A_197 = arith.constant 80 : i32
      %add3A_198 = arith.addi %mul3A_107, %add3A_197 : i32
      %get3A_199 = arith.index_cast %add3A_198 : i32 to index
      %get3A_200 = tpu.vector_load %arg6[%get3A_199] {strides = array<i32>} : memref<16384xf32, #tpu.memory_space<vmem>>, vector<16xf32>,
      %get3A_201 = vector.shape_cast %get3A_200 : vector<16xf32> to vector<16xf32>
      %ne3A_202 = arith.constant 0.000000e+00 : f32
      %ne3A_203 = vector.broadcast %ne3A_202 : f32 to vector<16xf32>
      %ne3A_204 = arith.cmpf one, %get3A_201, %ne3A_203 : vector<16xf32>
      %sub3A_205 = arith.subf %get3A_196, %get3A_201 : vector<16xf32>
      %abs3A_206 = math.absf %sub3A_205 : vector<16xf32>
      %jit3A_207 = arith.constant 0.000000e+00 : f32
      %broadcast_in_dim3A_208 = vector.broadcast %jit3A_207 : f32 to vector<16xf32>
      %select_n3A_209 = arith.select %ne3A_204, %abs3A_206, %broadcast_in_dim3A_208 : vector<16xi1>, vector<16xf32>
      %add3A_210 = arith.constant 96 : i32
      %add3A_211 = arith.addi %mul3A_107, %add3A_210 : i32
      %get3A_212 = arith.index_cast %add3A_211 : i32 to index
      %get3A_213 = tpu.vector_load %arg5[%get3A_212] {strides = array<i32>} : memref<16384xf32, #tpu.memory_space<vmem>>, vector<16xf32>,
      %get3A_214 = vector.shape_cast %get3A_213 : vector<16xf32> to vector<16xf32>
      %add3A_215 = arith.constant 96 : i32
      %add3A_216 = arith.addi %mul3A_107, %add3A_215 : i32
      %get3A_217 = arith.index_cast %add3A_216 : i32 to index
      %get3A_218 = tpu.vector_load %arg6[%get3A_217] {strides = array<i32>} : memref<16384xf32, #tpu.memory_space<vmem>>, vector<16xf32>,
      %get3A_219 = vector.shape_cast %get3A_218 : vector<16xf32> to vector<16xf32>
      %ne3A_220 = arith.constant 0.000000e+00 : f32
      %ne3A_221 = vector.broadcast %ne3A_220 : f32 to vector<16xf32>
      %ne3A_222 = arith.cmpf one, %get3A_219, %ne3A_221 : vector<16xf32>
      %sub3A_223 = arith.subf %get3A_214, %get3A_219 : vector<16xf32>
      %abs3A_224 = math.absf %sub3A_223 : vector<16xf32>
      %jit3A_225 = arith.constant 0.000000e+00 : f32
      %broadcast_in_dim3A_226 = vector.broadcast %jit3A_225 : f32 to vector<16xf32>
      %select_n3A_227 = arith.select %ne3A_222, %abs3A_224, %broadcast_in_dim3A_226 : vector<16xi1>, vector<16xf32>
      %add3A_228 = arith.constant 112 : i32
      %add3A_229 = arith.addi %mul3A_107, %add3A_228 : i32
      %get3A_230 = arith.index_cast %add3A_229 : i32 to index
      %get3A_231 = tpu.vector_load %arg5[%get3A_230] {strides = array<i32>} : memref<16384xf32, #tpu.memory_space<vmem>>, vector<16xf32>,
      %get3A_232 = vector.shape_cast %get3A_231 : vector<16xf32> to vector<16xf32>
      %add3A_233 = arith.constant 112 : i32
      %add3A_234 = arith.addi %mul3A_107, %add3A_233 : i32
      %get3A_235 = arith.index_cast %add3A_234 : i32 to index
      %get3A_236 = tpu.vector_load %arg6[%get3A_235] {strides = array<i32>} : memref<16384xf32, #tpu.memory_space<vmem>>, vector<16xf32>,
      %get3A_237 = vector.shape_cast %get3A_236 : vector<16xf32> to vector<16xf32>
      %ne3A_238 = arith.constant 0.000000e+00 : f32
      %ne3A_239 = vector.broadcast %ne3A_238 : f32 to vector<16xf32>
      %ne3A_240 = arith.cmpf one, %get3A_237, %ne3A_239 : vector<16xf32>
      %sub3A_241 = arith.subf %get3A_232, %get3A_237 : vector<16xf32>
      %abs3A_242 = math.absf %sub3A_241 : vector<16xf32>
      %jit3A_243 = arith.constant 0.000000e+00 : f32
      %broadcast_in_dim3A_244 = vector.broadcast %jit3A_243 : f32 to vector<16xf32>
      %select_n3A_245 = arith.select %ne3A_240, %abs3A_242, %broadcast_in_dim3A_244 : vector<16xi1>, vector<16xf32>
      %add3A_246 = arith.addf %scan3A_102, %select_n3A : vector<16xf32>
      %add3A_247 = arith.addf %add3A_246, %select_n3A_191 : vector<16xf32>
      %add3A_248 = arith.addf %scan3A_103, %select_n3A_137 : vector<16xf32>
      %add3A_249 = arith.addf %add3A_248, %select_n3A_209 : vector<16xf32>
      %add3A_250 = arith.addf %scan3A_104, %select_n3A_155 : vector<16xf32>
      %add3A_251 = arith.addf %add3A_250, %select_n3A_227 : vector<16xf32>
      %add3A_252 = arith.addf %scan3A_105, %select_n3A_173 : vector<16xf32>
      %add3A_253 = arith.addf %add3A_252, %select_n3A_245 : vector<16xf32>
      scf.yield %add3A_247, %add3A_249, %add3A_251, %add3A_253 : vector<16xf32>, vector<16xf32>, vector<16xf32>, vector<16xf32>
    }
    %scan3A_80 = arith.constant 128 : i32
    %dma_wait3A_81 = arith.constant 0 : i32
    %dma_wait3A_82 = tpu.memref_slice %arg2[%dma_wait3A_81] : memref<16777216xf32, #tpu.memory_space<hbm>> -> memref<16384xf32, #tpu.memory_space<hbm>>
    %dma_wait3A_83 = arith.constant 0 : i32
    %dma_wait3A_84 = tpu.memref_slice %arg2[%dma_wait3A_83] : memref<16777216xf32, #tpu.memory_space<hbm>> -> memref<16384xf32, #tpu.memory_space<hbm>>
    tpu.wait_dma2 semaphore(%arg12 : memref<!tpu.dma_semaphore, #tpu.memory_space<semaphore_mem>>) src(%dma_wait3A_84 : memref<16384xf32, #tpu.memory_space<hbm>>) dst(%arg7 : memref<16384xf32, #tpu.memory_space<vmem>>)
    %dma_wait3A_85 = arith.constant 0 : i32
    %dma_wait3A_86 = tpu.memref_slice %arg3[%dma_wait3A_85] : memref<16777216xf32, #tpu.memory_space<hbm>> -> memref<16384xf32, #tpu.memory_space<hbm>>
    %dma_wait3A_87 = arith.constant 0 : i32
    %dma_wait3A_88 = tpu.memref_slice %arg3[%dma_wait3A_87] : memref<16777216xf32, #tpu.memory_space<hbm>> -> memref<16384xf32, #tpu.memory_space<hbm>>
    tpu.wait_dma2 semaphore(%arg13 : memref<!tpu.dma_semaphore, #tpu.memory_space<semaphore_mem>>) src(%dma_wait3A_88 : memref<16384xf32, #tpu.memory_space<hbm>>) dst(%arg8 : memref<16384xf32, #tpu.memory_space<vmem>>)
    %scan3A_89 = arith.constant 0 : i32
    %scan3A_90 = arith.constant 128 : i32
    %scan3A_91 = arith.addi %scan3A_89, %scan3A_90 : i32
    %scan3A_92 = arith.constant 1 : i32
    %scan3A_93:4 = scf.for %scan3A_101 = %scan3A_89 to %scan3A_91 step %scan3A_92 iter_args(%scan3A_102 = %scan3A_79#0, %scan3A_103 = %scan3A_79#1, %scan3A_104 = %scan3A_79#2, %scan3A_105 = %scan3A_79#3) -> (vector<16xf32>, vector<16xf32>, vector<16xf32>, vector<16xf32>)  : i32 {
      %mul3A_106 = arith.constant 128 : i32
      %mul3A_107 = arith.muli %scan3A_101, %mul3A_106 : i32
      %add3A_108 = arith.constant 0 : i32
      %add3A_109 = arith.addi %mul3A_107, %add3A_108 : i32
      %get3A = arith.index_cast %add3A_109 : i32 to index
      %get3A_110 = tpu.vector_load %arg7[%get3A] {strides = array<i32>} : memref<16384xf32, #tpu.memory_space<vmem>>, vector<16xf32>,
      %get3A_111 = vector.shape_cast %get3A_110 : vector<16xf32> to vector<16xf32>
      %add3A_112 = arith.constant 0 : i32
      %add3A_113 = arith.addi %mul3A_107, %add3A_112 : i32
      %get3A_114 = arith.index_cast %add3A_113 : i32 to index
      %get3A_115 = tpu.vector_load %arg8[%get3A_114] {strides = array<i32>} : memref<16384xf32, #tpu.memory_space<vmem>>, vector<16xf32>,
      %get3A_116 = vector.shape_cast %get3A_115 : vector<16xf32> to vector<16xf32>
      %ne3A = arith.constant 0.000000e+00 : f32
      %ne3A_117 = vector.broadcast %ne3A : f32 to vector<16xf32>
      %ne3A_118 = arith.cmpf one, %get3A_116, %ne3A_117 : vector<16xf32>
      %sub3A = arith.subf %get3A_111, %get3A_116 : vector<16xf32>
      %abs3A = math.absf %sub3A : vector<16xf32>
      %jit3A = arith.constant 0.000000e+00 : f32
      %broadcast_in_dim3A_119 = vector.broadcast %jit3A : f32 to vector<16xf32>
      %select_n3A = arith.select %ne3A_118, %abs3A, %broadcast_in_dim3A_119 : vector<16xi1>, vector<16xf32>
      %add3A_120 = arith.constant 16 : i32
      %add3A_121 = arith.addi %mul3A_107, %add3A_120 : i32
      %get3A_122 = arith.index_cast %add3A_121 : i32 to index
      %get3A_123 = tpu.vector_load %arg7[%get3A_122] {strides = array<i32>} : memref<16384xf32, #tpu.memory_space<vmem>>, vector<16xf32>,
      %get3A_124 = vector.shape_cast %get3A_123 : vector<16xf32> to vector<16xf32>
      %add3A_125 = arith.constant 16 : i32
      %add3A_126 = arith.addi %mul3A_107, %add3A_125 : i32
      %get3A_127 = arith.index_cast %add3A_126 : i32 to index
      %get3A_128 = tpu.vector_load %arg8[%get3A_127] {strides = array<i32>} : memref<16384xf32, #tpu.memory_space<vmem>>, vector<16xf32>,
      %get3A_129 = vector.shape_cast %get3A_128 : vector<16xf32> to vector<16xf32>
      %ne3A_130 = arith.constant 0.000000e+00 : f32
      %ne3A_131 = vector.broadcast %ne3A_130 : f32 to vector<16xf32>
      %ne3A_132 = arith.cmpf one, %get3A_129, %ne3A_131 : vector<16xf32>
      %sub3A_133 = arith.subf %get3A_124, %get3A_129 : vector<16xf32>
      %abs3A_134 = math.absf %sub3A_133 : vector<16xf32>
      %jit3A_135 = arith.constant 0.000000e+00 : f32
      %broadcast_in_dim3A_136 = vector.broadcast %jit3A_135 : f32 to vector<16xf32>
      %select_n3A_137 = arith.select %ne3A_132, %abs3A_134, %broadcast_in_dim3A_136 : vector<16xi1>, vector<16xf32>
      %add3A_138 = arith.constant 32 : i32
      %add3A_139 = arith.addi %mul3A_107, %add3A_138 : i32
      %get3A_140 = arith.index_cast %add3A_139 : i32 to index
      %get3A_141 = tpu.vector_load %arg7[%get3A_140] {strides = array<i32>} : memref<16384xf32, #tpu.memory_space<vmem>>, vector<16xf32>,
      %get3A_142 = vector.shape_cast %get3A_141 : vector<16xf32> to vector<16xf32>
      %add3A_143 = arith.constant 32 : i32
      %add3A_144 = arith.addi %mul3A_107, %add3A_143 : i32
      %get3A_145 = arith.index_cast %add3A_144 : i32 to index
      %get3A_146 = tpu.vector_load %arg8[%get3A_145] {strides = array<i32>} : memref<16384xf32, #tpu.memory_space<vmem>>, vector<16xf32>,
      %get3A_147 = vector.shape_cast %get3A_146 : vector<16xf32> to vector<16xf32>
      %ne3A_148 = arith.constant 0.000000e+00 : f32
      %ne3A_149 = vector.broadcast %ne3A_148 : f32 to vector<16xf32>
      %ne3A_150 = arith.cmpf one, %get3A_147, %ne3A_149 : vector<16xf32>
      %sub3A_151 = arith.subf %get3A_142, %get3A_147 : vector<16xf32>
      %abs3A_152 = math.absf %sub3A_151 : vector<16xf32>
      %jit3A_153 = arith.constant 0.000000e+00 : f32
      %broadcast_in_dim3A_154 = vector.broadcast %jit3A_153 : f32 to vector<16xf32>
      %select_n3A_155 = arith.select %ne3A_150, %abs3A_152, %broadcast_in_dim3A_154 : vector<16xi1>, vector<16xf32>
      %add3A_156 = arith.constant 48 : i32
      %add3A_157 = arith.addi %mul3A_107, %add3A_156 : i32
      %get3A_158 = arith.index_cast %add3A_157 : i32 to index
      %get3A_159 = tpu.vector_load %arg7[%get3A_158] {strides = array<i32>} : memref<16384xf32, #tpu.memory_space<vmem>>, vector<16xf32>,
      %get3A_160 = vector.shape_cast %get3A_159 : vector<16xf32> to vector<16xf32>
      %add3A_161 = arith.constant 48 : i32
      %add3A_162 = arith.addi %mul3A_107, %add3A_161 : i32
      %get3A_163 = arith.index_cast %add3A_162 : i32 to index
      %get3A_164 = tpu.vector_load %arg8[%get3A_163] {strides = array<i32>} : memref<16384xf32, #tpu.memory_space<vmem>>, vector<16xf32>,
      %get3A_165 = vector.shape_cast %get3A_164 : vector<16xf32> to vector<16xf32>
      %ne3A_166 = arith.constant 0.000000e+00 : f32
      %ne3A_167 = vector.broadcast %ne3A_166 : f32 to vector<16xf32>
      %ne3A_168 = arith.cmpf one, %get3A_165, %ne3A_167 : vector<16xf32>
      %sub3A_169 = arith.subf %get3A_160, %get3A_165 : vector<16xf32>
      %abs3A_170 = math.absf %sub3A_169 : vector<16xf32>
      %jit3A_171 = arith.constant 0.000000e+00 : f32
      %broadcast_in_dim3A_172 = vector.broadcast %jit3A_171 : f32 to vector<16xf32>
      %select_n3A_173 = arith.select %ne3A_168, %abs3A_170, %broadcast_in_dim3A_172 : vector<16xi1>, vector<16xf32>
      %add3A_174 = arith.constant 64 : i32
      %add3A_175 = arith.addi %mul3A_107, %add3A_174 : i32
      %get3A_176 = arith.index_cast %add3A_175 : i32 to index
      %get3A_177 = tpu.vector_load %arg7[%get3A_176] {strides = array<i32>} : memref<16384xf32, #tpu.memory_space<vmem>>, vector<16xf32>,
      %get3A_178 = vector.shape_cast %get3A_177 : vector<16xf32> to vector<16xf32>
      %add3A_179 = arith.constant 64 : i32
      %add3A_180 = arith.addi %mul3A_107, %add3A_179 : i32
      %get3A_181 = arith.index_cast %add3A_180 : i32 to index
      %get3A_182 = tpu.vector_load %arg8[%get3A_181] {strides = array<i32>} : memref<16384xf32, #tpu.memory_space<vmem>>, vector<16xf32>,
      %get3A_183 = vector.shape_cast %get3A_182 : vector<16xf32> to vector<16xf32>
      %ne3A_184 = arith.constant 0.000000e+00 : f32
      %ne3A_185 = vector.broadcast %ne3A_184 : f32 to vector<16xf32>
      %ne3A_186 = arith.cmpf one, %get3A_183, %ne3A_185 : vector<16xf32>
      %sub3A_187 = arith.subf %get3A_178, %get3A_183 : vector<16xf32>
      %abs3A_188 = math.absf %sub3A_187 : vector<16xf32>
      %jit3A_189 = arith.constant 0.000000e+00 : f32
      %broadcast_in_dim3A_190 = vector.broadcast %jit3A_189 : f32 to vector<16xf32>
      %select_n3A_191 = arith.select %ne3A_186, %abs3A_188, %broadcast_in_dim3A_190 : vector<16xi1>, vector<16xf32>
      %add3A_192 = arith.constant 80 : i32
      %add3A_193 = arith.addi %mul3A_107, %add3A_192 : i32
      %get3A_194 = arith.index_cast %add3A_193 : i32 to index
      %get3A_195 = tpu.vector_load %arg7[%get3A_194] {strides = array<i32>} : memref<16384xf32, #tpu.memory_space<vmem>>, vector<16xf32>,
      %get3A_196 = vector.shape_cast %get3A_195 : vector<16xf32> to vector<16xf32>
      %add3A_197 = arith.constant 80 : i32
      %add3A_198 = arith.addi %mul3A_107, %add3A_197 : i32
      %get3A_199 = arith.index_cast %add3A_198 : i32 to index
      %get3A_200 = tpu.vector_load %arg8[%get3A_199] {strides = array<i32>} : memref<16384xf32, #tpu.memory_space<vmem>>, vector<16xf32>,
      %get3A_201 = vector.shape_cast %get3A_200 : vector<16xf32> to vector<16xf32>
      %ne3A_202 = arith.constant 0.000000e+00 : f32
      %ne3A_203 = vector.broadcast %ne3A_202 : f32 to vector<16xf32>
      %ne3A_204 = arith.cmpf one, %get3A_201, %ne3A_203 : vector<16xf32>
      %sub3A_205 = arith.subf %get3A_196, %get3A_201 : vector<16xf32>
      %abs3A_206 = math.absf %sub3A_205 : vector<16xf32>
      %jit3A_207 = arith.constant 0.000000e+00 : f32
      %broadcast_in_dim3A_208 = vector.broadcast %jit3A_207 : f32 to vector<16xf32>
      %select_n3A_209 = arith.select %ne3A_204, %abs3A_206, %broadcast_in_dim3A_208 : vector<16xi1>, vector<16xf32>
      %add3A_210 = arith.constant 96 : i32
      %add3A_211 = arith.addi %mul3A_107, %add3A_210 : i32
      %get3A_212 = arith.index_cast %add3A_211 : i32 to index
      %get3A_213 = tpu.vector_load %arg7[%get3A_212] {strides = array<i32>} : memref<16384xf32, #tpu.memory_space<vmem>>, vector<16xf32>,
      %get3A_214 = vector.shape_cast %get3A_213 : vector<16xf32> to vector<16xf32>
      %add3A_215 = arith.constant 96 : i32
      %add3A_216 = arith.addi %mul3A_107, %add3A_215 : i32
      %get3A_217 = arith.index_cast %add3A_216 : i32 to index
      %get3A_218 = tpu.vector_load %arg8[%get3A_217] {strides = array<i32>} : memref<16384xf32, #tpu.memory_space<vmem>>, vector<16xf32>,
      %get3A_219 = vector.shape_cast %get3A_218 : vector<16xf32> to vector<16xf32>
      %ne3A_220 = arith.constant 0.000000e+00 : f32
      %ne3A_221 = vector.broadcast %ne3A_220 : f32 to vector<16xf32>
      %ne3A_222 = arith.cmpf one, %get3A_219, %ne3A_221 : vector<16xf32>
      %sub3A_223 = arith.subf %get3A_214, %get3A_219 : vector<16xf32>
      %abs3A_224 = math.absf %sub3A_223 : vector<16xf32>
      %jit3A_225 = arith.constant 0.000000e+00 : f32
      %broadcast_in_dim3A_226 = vector.broadcast %jit3A_225 : f32 to vector<16xf32>
      %select_n3A_227 = arith.select %ne3A_222, %abs3A_224, %broadcast_in_dim3A_226 : vector<16xi1>, vector<16xf32>
      %add3A_228 = arith.constant 112 : i32
      %add3A_229 = arith.addi %mul3A_107, %add3A_228 : i32
      %get3A_230 = arith.index_cast %add3A_229 : i32 to index
      %get3A_231 = tpu.vector_load %arg7[%get3A_230] {strides = array<i32>} : memref<16384xf32, #tpu.memory_space<vmem>>, vector<16xf32>,
      %get3A_232 = vector.shape_cast %get3A_231 : vector<16xf32> to vector<16xf32>
      %add3A_233 = arith.constant 112 : i32
      %add3A_234 = arith.addi %mul3A_107, %add3A_233 : i32
      %get3A_235 = arith.index_cast %add3A_234 : i32 to index
      %get3A_236 = tpu.vector_load %arg8[%get3A_235] {strides = array<i32>} : memref<16384xf32, #tpu.memory_space<vmem>>, vector<16xf32>,
      %get3A_237 = vector.shape_cast %get3A_236 : vector<16xf32> to vector<16xf32>
      %ne3A_238 = arith.constant 0.000000e+00 : f32
      %ne3A_239 = vector.broadcast %ne3A_238 : f32 to vector<16xf32>
      %ne3A_240 = arith.cmpf one, %get3A_237, %ne3A_239 : vector<16xf32>
      %sub3A_241 = arith.subf %get3A_232, %get3A_237 : vector<16xf32>
      %abs3A_242 = math.absf %sub3A_241 : vector<16xf32>
      %jit3A_243 = arith.constant 0.000000e+00 : f32
      %broadcast_in_dim3A_244 = vector.broadcast %jit3A_243 : f32 to vector<16xf32>
      %select_n3A_245 = arith.select %ne3A_240, %abs3A_242, %broadcast_in_dim3A_244 : vector<16xi1>, vector<16xf32>
      %add3A_246 = arith.addf %scan3A_102, %select_n3A : vector<16xf32>
      %add3A_247 = arith.addf %add3A_246, %select_n3A_191 : vector<16xf32>
      %add3A_248 = arith.addf %scan3A_103, %select_n3A_137 : vector<16xf32>
      %add3A_249 = arith.addf %add3A_248, %select_n3A_209 : vector<16xf32>
      %add3A_250 = arith.addf %scan3A_104, %select_n3A_155 : vector<16xf32>
      %add3A_251 = arith.addf %add3A_250, %select_n3A_227 : vector<16xf32>
      %add3A_252 = arith.addf %scan3A_105, %select_n3A_173 : vector<16xf32>
      %add3A_253 = arith.addf %add3A_252, %select_n3A_245 : vector<16xf32>
      scf.yield %add3A_247, %add3A_249, %add3A_251, %add3A_253 : vector<16xf32>, vector<16xf32>, vector<16xf32>, vector<16xf32>
    }
    %scan3A_94 = arith.constant 128 : i32
    %add3A_95 = arith.addf %scan3A_93#0, %scan3A_93#1 : vector<16xf32>
    %add3A_96 = arith.addf %scan3A_93#2, %scan3A_93#3 : vector<16xf32>
    %add3A_97 = arith.addf %add3A_95, %add3A_96 : vector<16xf32>
    %swap3A = arith.constant 0 : index
    %swap3A_98 = tpu.vector_load %arg9[%swap3A] {strides = array<i32>} : memref<16xf32, #tpu.memory_space<vmem>>, vector<16xf32>,
    %swap3A_99 = vector.shape_cast %swap3A_98 : vector<16xf32> to vector<16xf32>
    %swap3A_100 = vector.shape_cast %add3A_97 : vector<16xf32> to vector<16xf32>
    tpu.vector_store %arg9[%swap3A], %swap3A_100 {strides = array<i32>} : memref<16xf32, #tpu.memory_space<vmem>>, vector<16xf32>,
    "tpu.region"() ({
      %run_scoped3A = tpu.sem_alloc : memref<!tpu.dma_semaphore, #tpu.memory_space<semaphore_mem>>
      %dma_start3A_101 = arith.constant 0 : i32
      %dma_start3A_102 = tpu.memref_slice %arg4[%add3A, %dma_start3A_101] : memref<32x16xf32, #tpu.memory_space<hbm>> -> memref<1x16xf32, #tpu.memory_space<hbm>>
      %dma_start3A_103 = tpu.memref_squeeze %dma_start3A_102 : memref<1x16xf32, #tpu.memory_space<hbm>> -> memref<16xf32, #tpu.memory_space<hbm>>
      %dma_start3A_104 = arith.constant 0 : i32
      %dma_start3A_105 = tpu.memref_slice %arg4[%add3A, %dma_start3A_104] : memref<32x16xf32, #tpu.memory_space<hbm>> -> memref<1x16xf32, #tpu.memory_space<hbm>>
      %dma_start3A_106 = tpu.memref_squeeze %dma_start3A_105 : memref<1x16xf32, #tpu.memory_space<hbm>> -> memref<16xf32, #tpu.memory_space<hbm>>
      tpu.enqueue_dma source(%arg9 : memref<16xf32, #tpu.memory_space<vmem>>) target(%dma_start3A_106 : memref<16xf32, #tpu.memory_space<hbm>>) target_semaphore(%run_scoped3A : memref<!tpu.dma_semaphore, #tpu.memory_space<semaphore_mem>>)
      %dma_wait3A_107 = arith.constant 0 : i32
      %dma_wait3A_108 = tpu.memref_slice %arg4[%add3A, %dma_wait3A_107] : memref<32x16xf32, #tpu.memory_space<hbm>> -> memref<1x16xf32, #tpu.memory_space<hbm>>
      %dma_wait3A_109 = tpu.memref_squeeze %dma_wait3A_108 : memref<1x16xf32, #tpu.memory_space<hbm>> -> memref<16xf32, #tpu.memory_space<hbm>>
      %dma_wait3A_110 = arith.constant 0 : i32
      %dma_wait3A_111 = tpu.memref_slice %arg4[%add3A, %dma_wait3A_110] : memref<32x16xf32, #tpu.memory_space<hbm>> -> memref<1x16xf32, #tpu.memory_space<hbm>>
      %dma_wait3A_112 = tpu.memref_squeeze %dma_wait3A_111 : memref<1x16xf32, #tpu.memory_space<hbm>> -> memref<16xf32, #tpu.memory_space<hbm>>
      tpu.wait_dma2 semaphore(%run_scoped3A : memref<!tpu.dma_semaphore, #tpu.memory_space<semaphore_mem>>) src(%arg9 : memref<16xf32, #tpu.memory_space<vmem>>) dst(%dma_wait3A_112 : memref<16xf32, #tpu.memory_space<hbm>>)
      tpu.yield
    }) : () -> ()
    return
  }
}

module attributes {stable_mosaic.version = 14 : i64} {
  func.func @_tc_body(%arg0: i32, %arg1: memref<8192x128xf32, #tpu.memory_space<vmem>>, %arg2: memref<8192x128xf32, #tpu.memory_space<vmem>>, %arg3: memref<8x128xf32, #tpu.memory_space<vmem>>, %arg4: memref<1xf32, #tpu.memory_space<smem>>) attributes {dimension_semantics = [#tpu.dimension_semantics<arbitrary>], iteration_bounds = array<i64: 14>, scalar_prefetch = 0 : i64, scratch_operands = 0 : i64, tpu.core_type = #tpu.core_type<tc>, window_params = [{transform_indices = @transform_0, window_bounds = array<i64: 8192, 128>}, {transform_indices = @transform_1, window_bounds = array<i64: 8192, 128>}, {pipeline_mode = #tpu.pipeline_mode<synchronous>, transform_indices = @transform_2, window_bounds = array<i64: 8, 128>}, {transform_indices = @transform_3, window_bounds = array<i64: 1>}]} {
    %eq3A = arith.constant 0 : i32
    %eq3A_0 = arith.cmpi eq, %arg0, %eq3A : i32
    %convert_element_type3A = arith.extui %eq3A_0 : i1 to i32
    %cond3A = arith.constant 0 : i32
    %cond3A_1 = arith.cmpi ne, %convert_element_type3A, %cond3A : i32
    scf.if %cond3A_1 {
      %broadcast_in_dim3A_20 = arith.constant 0.000000e+00 : f32
      %broadcast_in_dim3A_21 = vector.broadcast %broadcast_in_dim3A_20 : f32 to vector<8x128xf32>
      %swap3A_22 = arith.constant 0 : index
      %swap3A_23 = arith.constant 0 : index
      %swap3A_24 = vector.load %arg3[%swap3A_22, %swap3A_23] : memref<8x128xf32, #tpu.memory_space<vmem>>, vector<8x128xf32>
      tpu.vector_store %arg3[%swap3A_22, %swap3A_23], %broadcast_in_dim3A_21 {strides = array<i32>} : memref<8x128xf32, #tpu.memory_space<vmem>>, vector<8x128xf32>,
    } else {
    }
    %get3A = arith.constant 0 : index
    %get3A_2 = arith.constant 0 : index
    %get3A_3 = vector.load %arg1[%get3A, %get3A_2] : memref<8192x128xf32, #tpu.memory_space<vmem>>, vector<8192x128xf32>
    %get3A_4 = arith.constant 0 : index
    %get3A_5 = arith.constant 0 : index
    %get3A_6 = vector.load %arg2[%get3A_4, %get3A_5] : memref<8192x128xf32, #tpu.memory_space<vmem>>, vector<8192x128xf32>
    %ne3A = arith.constant 0.000000e+00 : f32
    %ne3A_7 = vector.broadcast %ne3A : f32 to vector<8192x128xf32>
    %ne3A_8 = arith.cmpf one, %get3A_6, %ne3A_7 : vector<8192x128xf32>
    %sub3A = arith.subf %get3A_3, %get3A_6 : vector<8192x128xf32>
    %abs3A = math.absf %sub3A : vector<8192x128xf32>
    %jit3A = arith.constant 0.000000e+00 : f32
    %broadcast_in_dim3A = vector.broadcast %jit3A : f32 to vector<8192x128xf32>
    %select_n3A = arith.select %ne3A_8, %abs3A, %broadcast_in_dim3A : vector<8192x128xi1>, vector<8192x128xf32>
    %get3A_9 = arith.constant 0 : index
    %get3A_10 = arith.constant 0 : index
    %get3A_11 = vector.load %arg3[%get3A_9, %get3A_10] : memref<8x128xf32, #tpu.memory_space<vmem>>, vector<8x128xf32>
    %reshape3A = vector.shape_cast %select_n3A : vector<8192x128xf32> to vector<1024x8x128xf32>
    %reduce_sum3A = arith.constant dense<0.000000e+00> : vector<8x128xf32>
    %reduce_sum3A_12 = vector.multi_reduction <add>, %reshape3A, %reduce_sum3A [0] : vector<1024x8x128xf32> to vector<8x128xf32>
    %add3A = arith.addf %get3A_11, %reduce_sum3A_12 : vector<8x128xf32>
    %swap3A = arith.constant 0 : index
    %swap3A_13 = arith.constant 0 : index
    %swap3A_14 = vector.load %arg3[%swap3A, %swap3A_13] : memref<8x128xf32, #tpu.memory_space<vmem>>, vector<8x128xf32>
    tpu.vector_store %arg3[%swap3A, %swap3A_13], %add3A {strides = array<i32>} : memref<8x128xf32, #tpu.memory_space<vmem>>, vector<8x128xf32>,
    %eq3A_15 = arith.constant 13 : i32
    %eq3A_16 = arith.cmpi eq, %arg0, %eq3A_15 : i32
    %convert_element_type3A_17 = arith.extui %eq3A_16 : i1 to i32
    %cond3A_18 = arith.constant 0 : i32
    %cond3A_19 = arith.cmpi ne, %convert_element_type3A_17, %cond3A_18 : i32
    scf.if %cond3A_19 {
      %get3A_20 = arith.constant 0 : index
      %get3A_21 = arith.constant 0 : index
      %get3A_22 = vector.load %arg3[%get3A_20, %get3A_21] : memref<8x128xf32, #tpu.memory_space<vmem>>, vector<8x128xf32>
      %reduce_sum3A_23 = vector.shape_cast %get3A_22 : vector<8x128xf32> to vector<1x8x128xf32>
      %reduce_sum3A_24 = arith.constant dense<0.000000e+00> : vector<1xf32>
      %reduce_sum3A_25 = vector.multi_reduction <add>, %reduce_sum3A_23, %reduce_sum3A_24 [1, 2] : vector<1x8x128xf32> to vector<1xf32>
      %reduce_sum3A_26 = vector.shape_cast %reduce_sum3A_25 : vector<1xf32> to vector<1x1x1xf32>
      %reduce_sum3A_27 = vector.extract %reduce_sum3A_26[0, 0, 0] : f32 from vector<1x1x1xf32>
      %swap3A_28 = arith.constant 0 : index
      %swap3A_29 = memref.load %arg4[%swap3A_28] : memref<1xf32, #tpu.memory_space<smem>>
      memref.store %reduce_sum3A_27, %arg4[%swap3A_28] : memref<1xf32, #tpu.memory_space<smem>>
    } else {
    }
    return
  }
  func.func @transform_0(%arg0: i32) -> (i32, i32) {
    %c0_i32 = arith.constant 0 : i32
    %c0_i32_0 = arith.constant 0 : i32
    return %arg0, %c0_i32 : i32, i32
  }
  func.func @transform_1(%arg0: i32) -> (i32, i32) {
    %c0_i32 = arith.constant 0 : i32
    %c0_i32_0 = arith.constant 0 : i32
    return %arg0, %c0_i32 : i32, i32
  }
  func.func @transform_2(%arg0: i32) -> (i32, i32) {
    %c0_i32 = arith.constant 0 : i32
    %c0_i32_0 = arith.constant 0 : i32
    %c0_i32_1 = arith.constant 0 : i32
    return %c0_i32, %c0_i32_0 : i32, i32
  }
  func.func @transform_3(%arg0: i32) -> i32 {
    %c0_i32 = arith.constant 0 : i32
    %c0_i32_0 = arith.constant 0 : i32
    return %c0_i32 : i32
  }
}

</mosaic_0001>

<sc_bundles>
// kernel: kernel.4.cloned.1.call-start
scs
__scs_entry_jumppad:
0x0: {  	(pc) =	sbr.rel $0x88, $3  }
0x1: {  	(tag) =	ssettag $0x0;
	lr =	simm.s32 $0x1  }
0x2: {  	[smem:$0x3F9F] =	sst lr;
	_ =	strace $0xD0000000  }
0x3: {  	_ = 	snop  }
0x4: {  	_ = 	snop  }
0x5: {  	_ = 	snop  }
0x6: {  	_ = 	snop  }
0x7: {  	_ = 	snop  }
__scs_overlays_trampoline_lowered:
0x8: {  	[smem:$0x3FAE] =	sst s0  }
0x9: {  	[smem:$0x3FAF] =	sst s1  }
0xa: {  	[smem:$0x3FB0] =	sst s2  }
0xb: {  	[smem:$0x3FB1] =	sst s3  }
0xc: {  	[smem:$0x3FB2] =	sst s4  }
0xd: {  	[smem:$0x3FB3] =	sst s5  }
0xe: {  	[smem:$0x3FB4] =	sst s6  }
0xf: {  	[smem:$0x3FB5] =	sst s7  }
0x10: {  	[smem:$0x3FB6] =	sst s8  }
0x11: {  	[smem:$0x3FB7] =	sst s9;
	s0 =	simm.s32 @!p0 $0x0  }
0x12: {  	s1 =	sld [smem:$0x3F9D];
	s0 =	simm.s32 @p0 $0x1  }
0x13: {  	[smem:$0x3FB8] =	sst s0;
	s0 =	simm.s32 @!p1 $0x0  }
0x14: {  	s2 =	sld [smem:$0x3F9C];
	s0 =	simm.s32 @p1 $0x1  }
0x15: {  	[smem:$0x3FB9] =	sst s0;
	s0 =	simm.s32 @!p2 $0x0  }
0x16: {  	s3 =	sld [smem:$0x3FDB];
	s0 =	simm.s32 @p2 $0x1  }
0x17: {  	s4 =	simm.s32 $0x1BF5;
	[smem:$0x3FBB] =	sst s0  }
0x18: {  	s0 =	sld [smem:$0x3F9E];
	_ =	swait.ge [sflag:s4], $0x0  }
0x19: {  	s7 =	sld [smem:$0x3F9F]  }
0x1a: {  	s8 =	sadd.s32 $0xFFFFE003, lr  }
0x1b: {  	s9 =	sadd.s32 $0xFFFFFEF7, lr;
	s5 =	simm.s32 $0xFFFFFFFF;
	p2 =	slt.u32 s8, $0xFFFFF086  }
0x1c: {  	p1 =	slt.u32 s9, $0xF7A;
	s5 =	simm.s32 @!p2 $0x0  }
0x1d: {  	s5 =	simm.s32 @p1 $0x1;
	p0 =	seq.s32 s7, s2  }
0x1e: {  	s7 =	smul.u32 @!p0 $0xF7A, s2;
	p2 =	seq.s32 @!p0 s5, $0x0  }
0x1f: {  	s9 =	smul.u32 $0xF7A, s1;
	s8 =	simm.s32 @!p0 $0x1BF5;
	p2 =	por !p2, p0  }
0x20: {  	[sflag:s8] =	ssyncset.s32 @!p0 $0xFFFFF086;
	s6 =	sadd.s32 @!p0 s3, s7;
	s7 =	simm.s32 @!p0 $0x108  }
0x21: {  	s3 =	sadd.s32 s3, s9;
	s6 =	sadd.s32 @!p0 $0x88, s6;
	s7 =	simm.s32 @p2 $0x1082  }
0x22: {  	[simem:s7], [sflag:s8] =	dma.local @!p0 [hbm:s6], $0xF7A  }
0x23: {  	s9 =	sor.u32 $0xD0000000, s2;
	s6 =	simm.s32 $0x108;
	_ =	swait.ge @!p0 [sflag:s8], $0x0  }
0x24: {  	s3 =	sadd.s32 $0x88, s3;
	s6 =	simm.s32 @!p1 $0x1082;
	[sflag:s4] =	ssyncset.s32 $0xFFFFF086  }
0x25: {  	[simem:s6], [sflag:s4] =	dma.local [hbm:s3], $0xF7A  }
0x26: {  	[smem:$0x3F9F] =	sst s1;
	(tag) =	ssettag s2;
	_ =	strace s9  }
0x27: {  	s1 =	sld [smem:$0x3FAF]  }
0x28: {  	s2 =	sld [smem:$0x3FB0]  }
0x29: {  	s4 =	sld [smem:$0x3FB2]  }
0x2a: {  	p0 =	seq.s32 s5, $0x0;
	s5 =	sld [smem:$0x3FB3]  }
0x2b: {  	s6 =	sld [smem:$0x3FB4]  }
0x2c: {  	s7 =	sld [smem:$0x3FB5]  }
0x2d: {  	s3 =	simm.s32 $0x108;
	s8 =	sld [smem:$0x3FB6]  }
0x2e: {  	s3 =	simm.s32 @!p0 $0x1082;
	s9 =	sld [smem:$0x3FB7]  }
0x2f: {  	lr =	sadd.s32 s0, s3;
	s0 =	sld [smem:$0x3FAE]  }
0x30: {  	s3 =	sld [smem:$0x3FB1]  }
0x31: {  	[smem:$0x3FBA] =	sst s10  }
0x32: {  	s10 =	sld [smem:$0x3FB8];
	_ =	sdelay $0x3  }
0x33: {  	p0 =	seq.s32 s10, $0x1;
	s10 =	sld [smem:$0x3FBA];
	_ =	sdelay $0x3  }
0x34: {  	[smem:$0x3FBA] =	sst s10  }
0x35: {  	s10 =	sld [smem:$0x3FB9];
	_ =	sdelay $0x3  }
0x36: {  	p1 =	seq.s32 s10, $0x1;
	s10 =	sld [smem:$0x3FBA];
	_ =	sdelay $0x3  }
0x37: {  	[smem:$0x3FBA] =	sst s10  }
0x38: {  	s10 =	sld [smem:$0x3FBB]  }
0x39: {  	_ = 	snop;
	(pc) =	sbr.ind lr, $3  }
0x3a: {  	_ = 	snop  }
0x3b: {  	_ = 	snop  }
0x3c: {  	p2 =	seq.s32 s10, $0x1;
	s10 =	sld [smem:$0x3FBA]  }
0x3d: {  	_ =	shalt  }
0x3e: {  	_ =	shalt  }
0x3f: {  	_ =	shalt  }
0x40: {  	_ =	shalt  }
0x41: {  	_ =	shalt  }
0x42: {  	_ =	shalt  }
0x43: {  	_ =	shalt  }
0x44: {  	_ =	shalt  }
0x45: {  	_ =	shalt  }
0x46: {  	_ =	shalt  }
0x47: {  	_ =	shalt  }
0x48: {  	_ =	shalt  }
0x49: {  	_ =	shalt  }
0x4a: {  	_ =	shalt  }
0x4b: {  	_ =	shalt  }
0x4c: {  	_ =	shalt  }
0x4d: {  	_ =	shalt  }
0x4e: {  	_ =	shalt  }
0x4f: {  	_ =	shalt  }
0x50: {  	_ =	shalt  }
0x51: {  	_ =	shalt  }
0x52: {  	_ =	shalt  }
0x53: {  	_ =	shalt  }
0x54: {  	_ =	shalt  }
0x55: {  	_ =	shalt  }
0x56: {  	_ =	shalt  }
0x57: {  	_ =	shalt  }
0x58: {  	_ =	shalt  }
0x59: {  	_ =	shalt  }
0x5a: {  	_ =	shalt  }
0x5b: {  	_ =	shalt  }
0x5c: {  	_ =	shalt  }
0x5d: {  	_ =	shalt  }
0x5e: {  	_ =	shalt  }
0x5f: {  	_ =	shalt  }
0x60: {  	_ =	shalt  }
0x61: {  	_ =	shalt  }
0x62: {  	_ =	shalt  }
0x63: {  	_ =	shalt  }
0x64: {  	_ =	shalt  }
0x65: {  	_ =	shalt  }
0x66: {  	_ =	shalt  }
0x67: {  	_ =	shalt  }
0x68: {  	_ =	shalt  }
0x69: {  	_ =	shalt  }
0x6a: {  	_ =	shalt  }
0x6b: {  	_ =	shalt  }
0x6c: {  	_ =	shalt  }
0x6d: {  	_ =	shalt  }
0x6e: {  	_ =	shalt  }
0x6f: {  	_ =	shalt  }
0x70: {  	_ =	shalt  }
0x71: {  	_ =	shalt  }
0x72: {  	_ =	shalt  }
0x73: {  	_ =	shalt  }
0x74: {  	_ =	shalt  }
0x75: {  	_ =	shalt  }
0x76: {  	_ =	shalt  }
0x77: {  	_ =	shalt  }
0x78: {  	_ =	shalt  }
0x79: {  	_ =	shalt  }
0x7a: {  	_ =	shalt  }
0x7b: {  	_ =	shalt  }
0x7c: {  	_ =	shalt  }
0x7d: {  	_ =	shalt  }
0x7e: {  	_ =	shalt  }
0x7f: {  	_ =	shalt  }
0x80: {  	_ =	shalt  }
0x81: {  	_ =	shalt  }
0x82: {  	_ =	shalt  }
0x83: {  	_ =	shalt  }
0x84: {  	_ =	shalt  }
0x85: {  	_ =	shalt  }
0x86: {  	_ =	shalt  }
0x87: {  	_ =	shalt  }
.Lfunc_end0:
.L_simem_size_0:
called_computation_lowered:
.L_overlay_start_0:
0x88: {  	s2 =	sld [smem:$0x3FD9]  }
0x89: {  	s3 =	sld [smem:$0x3FFE];
	_ =	sdelay $0x1  }
0x8a: {  	s1 =	srdreg.scid  }
0x8b: {  	s0 =	sand.u32 $0x1, s1  }
0x8c: {  	s17 =	sshll.u32 s0, $0xA;
	s2 =	sadd.s32 s3, s2  }
0x8d: {  	s2 =	sadd.s32 s2, s17  }
0x8e: {  	[smem:$0x3FC6] =	sst s2  }
0x8f: {  	_ = 	snop  }
0x90: {  	s2 =	sld [smem:$0x3FC9]  }
0x91: {  	s18 =	sld [smem:$0x3FC8];
	(tm) =	ssettm $0x1  }
0x92: {  	s4 =	sld [smem:$0x3FFB];
	_ =	sdelay $0x3  }
0x93: {  	_ =	strace s4  }
0x94: {  	s4 =	sld [smem:$0x3FFC];
	_ =	sdelay $0x3  }
0x95: {  	_ =	strace s4  }
0x96: {  	s4 =	sld [smem:$0x3FFD];
	_ =	sdelay $0x3  }
0x97: {  	_ =	strace s4  }
0x98: {  	_ =	strace $0x8FFFFFFF  }
0x99: {  	s19 =	sld [smem:$0x3FDB];
	_ =	sdelay $0x1  }
0x9a: {  	s5 =	simm.s32 $_scs_section_size  }
0x9b: {  	s6 =	simm.s32 $_size__tile_overlayer_lowered;
	s7 =	simm.s32 $_tile_overlayer_lowered  }
0x9c: {  	s22 =	simm.s32 $0x1BFF;
	s21 =	sshll.u32 s7, $0x1;
	s4 =	sadd.s32 s5, s19  }
0x9d: {  	s8 =	simm.s32 $0x0;
	s20 =	sshll.u32 s6, $0x1;
	s6 =	sadd.s32 s21, s4  }
0x9e: {  	[timem:s8], [sflag:s22] =	dma.local [hbm:s6], s20  }
0x9f: {  	_ =	swait.ge [sflag:s22], s20  }
0xa0: {  	s5 =	ssub.s32 $0x0, s20;
	[sflag:s22] =	ssyncset.done $0x0  }
0xa1: {  	[sflag:s22] =	ssyncadd.s32 s5;
	_ =	sdelay $0x1  }
0xa2: {  	s23 =	simm.s32 $0x1B8B  }
0xa3: {  	_ =	swait.ge [sflag:s23], $0x1  }
0xa4: {  	[sflag:s23] =	ssyncset.done $0x0  }
0xa5: {  	s25 =	simm.s32 $0x1B8E;
	s24 =	sld [smem:$0x3FFE];
	[sflag:s23] =	ssyncadd.s32 $0xFFFFFFFF  }
0xa6: {  	s26 =	simm.s32 $execute0_lowered;
	[smem:$0x3FD2] =	sst s25  }
0xa7: {  	s6 =	sshll.u32 s26, $0x1;
	_ =	strace $0x80000046;
	[dreg:$0x1] =	wrdreg $0xFFFFFFFF  }
0xa8: {  	s28 =	simm.s32 $_size_execute0_lowered;
	s4 =	sadd.s32 s4, s6;
	[dreg:$0x0] =	wrdreg $0x0  }
0xa9: {  	s6 =	sshll.u32 s28, $0x1;
	[dreg:$0x2] =	wrdreg s4  }
0xaa: {  	[dreg:$0x3] =	wrdreg s6  }
0xab: {  	[dreg:$0x4] =	wrdreg $0xC0  }
0xac: {  	_ =	task [dreg:s8], $0x5FFFF  }
0xad: {  	[dreg:$0x1] =	wrdreg $0xFFFFFFFF  }
0xae: {  	[dreg:$0x0] =	wrdreg $0x60  }
0xaf: {  	[dreg:$0x2] =	wrdreg s2  }
0xb0: {  	[dreg:$0x3] =	wrdreg s18  }
0xb1: {  	[dreg:$0x4] =	wrdreg s24  }
0xb2: {  	[dreg:$0x5] =	wrdreg $0x9  }
0xb3: {  	_ =	task.clear_ibuf [dreg:s8], $0x6FFFF;
	_ =	strace $0x90000046  }
0xb4: {  	s29 =	simm.s32 $0x9;
	_ =	strace $0x80000048  }
0xb5: {  	_ =	swait.ge [sflag:s29], $0x1  }
0xb6: {  	[sflag:s29] =	ssyncadd.s32 $0xFFFFFFFF  }
0xb7: {  	_ =	strace $0x90000048  }
0xb8: {  	_ =	sfence  }
0xb9: {  	s30 =	sld [smem:$0x0];
	_ =	sdelay $0x2  }
0xba: {  	s31 =	sshll.u32 s1, $0xD;
	s1 =	sshrl.u32 s1, $0x2  }
0xbb: {  	s3 =	sand.u32 $0x4000, s31;
	s1 =	sadd.s32 s1, s30  }
0xbc: {  	s0 =	sor.u32 s3, s0;
	s1 =	sshll.u32 s1, $0x11  }
0xbd: {  	s0 =	sor.u32 s1, s0  }
0xbe: {  	s0 =	sadd.s32 $0x8F2B, s0  }
0xbf: {  	[sflag:s0] =	ssyncadd.remote.s32 $0x1  }
0xc0: {  	_ =	sfence.sel $0xFFFF  }
0xc1: {  	[dreg:$0x0] =	wrdreg $0xFFFFFFFF;
	(pc) =	sbr.abs _section_cstart, $3  }
0xc2: {  	[dreg:$0x1] =	wrdreg $0xFFFFFFFF  }
0xc3: {  	_ =	task.clear_ibuf [dreg:s8], $0x2FFFF;
	_ =	strace $0x9FFFFFFF  }
0xc4: {  	(tm) =	ssettm $0x7FFFFFFF  }
0xc5: {  	_ =	shalt  }
tec
execute0_lowered:
.L_overlay_start_1:
0x0: {  	(tag) =	ssettag $0x1  }
0x1: {  	s9 =	rddreg [dreg:$0x0]  }
0x2: {  	s10 =	rddreg [dreg:$0x1]  }
0x3: {  	s3 =	rddreg [dreg:$0x2]  }
0x4: {  	s0 =	rddreg [dreg:$0x3];
	s2 =	simm.s32 $0x0;
	s4 =	srdreg.scid  }
0x5: {  	s1 =	stileid.u32;
	s15 =	simm.s32 $0xC000;
	s16 =	simm.s32 $0x1  }
0x6: {  	s17 =	simm.s32 $0x2;
	s18 =	simm.s32 $0x3;
	s19 =	simm.s32 $0x4  }
0x7: {  	s20 =	simm.s32 $0x10000;
	s21 =	simm.s32 $0x5;
	s22 =	simm.s32 $0x0  }
0x8: {  	[smem:$0x7FF] =	sst s2;
	s4 =	sand.u32 $0x1, s4;
	s5 =	sshll.u32 s1, $0x1  }
0x9: {  	_ =	strace $0x80000047;
	s5 =	sor.u32 s4, s5;
	s4 =	ssub.s32 $0x2, s4  }
0xa: {  	s6 =	sshll.u32 s5, $0x4;
	s8 =	sshll.u32 s5, $0xD;
	s30 =	sshrl.u32 s4, $0x1  }
0xb: {  	s11 =	sadd.s32 s6, s3;
	s5 =	sor.u32 $0x1C0000, s8;
	s31 =	sor.u32 $0x1C0800, s8  }
0xc: {  	s12 =	ssub.s32 s4, s30;
	s13 =	sor.u32 $0x1C1000, s8;
	s14 =	sor.u32 $0x1C1800, s8  }
0xd: {  	s3 =	sadd.s32 s9, s5;
	s4 =	sadd.s32 s10, s5;
	s5 =	sadd.s32 s9, s31  }
0xe: {  	s6 =	sadd.s32 s10, s31;
	s7 =	sadd.s32 s9, s13;
	s8 =	sadd.s32 s10, s13  }
0xf: {  	s9 =	sadd.s32 s9, s14;
	s10 =	sadd.s32 s10, s14;
	s11 =	sadd.s32 $0x200, s11  }
0x10: {  	s12 =	smax.u32 s12, $0x1;
	s13 =	simm.s32 $0x4000;
	s14 =	simm.s32 $0x8000  }
.LBB2_1:
0x11: {  	[tilespmem:s2], [sflag:$0x1] =	stream.linear.gather [hbm4b:s3+s2], $0x4000, $0x38;
	[tilespmem:$0x10080] =	vst v63  }
0x12: {  	_ = 	snop  }
0x13: {  	[tilespmem:s13], [sflag:$0x2] =	stream.linear.gather [hbm4b:s4+s2], $0x4000, $0x38;
	[tilespmem:$0x10080] =	vst v63  }
0x14: {  	_ = 	snop  }
0x15: {  	[tilespmem:s14], [sflag:$0x3] =	stream.linear.gather [hbm4b:s5+s2], $0x4000, $0x38;
	[tilespmem:$0x10080] =	vst v63  }
0x16: {  	_ = 	snop  }
0x17: {  	[tilespmem:s15], [sflag:$0x4] =	stream.linear.gather [hbm4b:s6+s2], $0x4000, $0x38;
	[tilespmem:$0x10080] =	vst v63  }
0x18: {  	_ =	swait.ge [sflag:s16], $0x4000  }
0x19: {  	[sflag:s16] =	ssyncset.done $0x0  }
0x1a: {  	[sflag:s16] =	ssyncadd.s32 $0xFFFFC000  }
0x1b: {  	_ =	swait.ge [sflag:s17], $0x4000  }
0x1c: {  	[sflag:s17] =	ssyncset.done $0x0  }
0x1d: {  	s24 =	simm.s32 $0x0;
	[sflag:s17] =	ssyncadd.s32 $0xFFFFC000  }
0x1e: {  	v2 =	vld [tilespmem:s24+$0x60]  }
0x1f: {  	v3 =	vld [tilespmem:s24+$0x40]  }
0x20: {  	v4 =	vld [tilespmem:s24+$0x4050]  }
0x21: {  	v5 =	vld [tilespmem:s24+$0x50]  }
0x22: {  	v6 =	vld [tilespmem:s24+$0x70]  }
0x23: {  	v14 =	vld [tilespmem:s24+$0x0]  }
0x24: {  	v1 =	vld [tilespmem:s24+$0x4060]  }
0x25: {  	v7 =	vld [tilespmem:s24+$0x4040]  }
0x26: {  	v13 =	vld [tilespmem:s24+$0x4070]  }
0x27: {  	v12 =	vld [tilespmem:s24+$0x30]  }
0x28: {  	v8 =	vld [tilespmem:s24+$0x4030]  }
0x29: {  	v0 =	vimm.f32 $0.0e+00;
	v11 =	vld [tilespmem:s24+$0x4000]  }
0x2a: {  	v9 =	vld [tilespmem:s24+$0x4020];
	vm1 =	vlt.f32 v4, $0.0e+00;
	v10 =	vsub.f32 v5, v4;
	vm2 =	vgt.f32 v4, $0.0e+00  }
0x2b: {  	vm0 =	vlt.f32 v1, $0.0e+00;
	v5 =	vsub.f32 v2, v1;
	v2 =	vsub.f32 v3, v7  }
0x2c: {  	vm3 =	vlt.f32 v7, $0.0e+00;
	vm4 =	vgt.f32 v7, $0.0e+00;
	v3 =	vsub.f32 v6, v13  }
0x2d: {  	vm5 =	vlt.f32 v13, $0.0e+00;
	vm1 =	vmor vm2, vm1;
	vm2 =	vgt.f32 v13, $0.0e+00;
	v13 =	vld [tilespmem:s24+$0x4010]  }
0x2e: {  	v15 =	vld [tilespmem:s24+$0x10];
	v12 =	vsub.f32 v12, v8;
	v16 =	vsub.f32 v14, v11;
	vm6 =	vlt.f32 v8, $0.0e+00  }
0x2f: {  	v14 =	vld [tilespmem:s24+$0x20];
	v4 =	vimm.f32 $0.0e+00;
	vm3 =	vmor vm4, vm3;
	vm4 =	vgt.f32 v9, $0.0e+00  }
0x30: {  	v7 =	vand.u32 $0x7FFFFFFF, v2;
	v6 =	vand.u32 $0x7FFFFFFF, v3;
	vm2 =	vmor vm2, vm5  }
0x31: {  	s23 =	simm.s32 $0x200;
	vm5 =	vlt.f32 v11, $0.0e+00;
	v3 =	vimm.f32 $0.0e+00;
	v2 =	vimm.f32 $0.0e+00  }
.LBB2_2:
0x32: {  	s24 =	sshra.s32 s23, $0x2;
	p0 =	sne.s32 s23, $0xFE00;
	s23 =	sadd.s32 $0x200, s23;
	v16 =	vand.u32 $0x7FFFFFFF, v16;
	vm7 =	vgt.f32 v13, $0.0e+00;
	v10 =	vand.u32 $0x7FFFFFFF, v10  }
0x33: {  	vm8 =	vgt.f32 v11, $0.0e+00;
	vm9 =	vlt.f32 v13, $0.0e+00;
	vm10 =	vgt.f32 v8, $0.0e+00;
	v17 =	vld [tilespmem:s24+$0x60]  }
0x34: {  	v11 =	vsub.f32 v14, v9;
	vm6 =	vmor vm10, vm6;
	v18 =	vld [tilespmem:s24+$0x40];
	v8 =	vsub.f32 v15, v13  }
0x35: {  	vm5 =	vmor vm8, vm5;
	vm8 =	vlt.f32 v9, $0.0e+00;
	v9 =	vand.u32 $0x7FFFFFFF, v12;
	v13 =	vld [tilespmem:s24+$0x4050]  }
0x36: {  	v14 =	vnsel vm5, $0x0, v16;
	vm4 =	vmor vm4, vm8;
	v9 =	vnsel vm6, $0x0, v9;
	v12 =	vld [tilespmem:s24+$0x50]  }
0x37: {  	vm5 =	vmor vm7, vm9;
	v16 =	vand.u32 $0x7FFFFFFF, v5;
	v0 =	vadd.f32 v14, v0;
	v15 =	vld [tilespmem:s24+$0x70]  }
0x38: {  	v7 =	vnsel vm3, $0x0, v7;
	v5 =	vand.u32 $0x7FFFFFFF, v11;
	v19 =	vld [tilespmem:s24+$0x0]  }
0x39: {  	v20 =	vnsel vm1, $0x0, v10;
	v5 =	vnsel vm4, $0x0, v5;
	v0 =	vadd.f32 v7, v0;
	v14 =	vld [tilespmem:s24+$0x4060]  }
0x3a: {  	v6 =	vnsel vm2, $0x0, v6;
	v3 =	vadd.f32 v9, v3;
	v8 =	vand.u32 $0x7FFFFFFF, v8;
	v7 =	vld [tilespmem:s24+$0x4040]  }
0x3b: {  	v9 =	vnsel vm5, $0x0, v8;
	vm1 =	vlt.f32 v13, $0.0e+00;
	v10 =	vsub.f32 v12, v13;
	v21 =	vld [tilespmem:s24+$0x4070]  }
0x3c: {  	vm3 =	vgt.f32 v1, $0.0e+00;
	v3 =	vadd.f32 v6, v3;
	vm2 =	vgt.f32 v13, $0.0e+00;
	v12 =	vld [tilespmem:s24+$0x30]  }
0x3d: {  	vm3 =	vmor vm3, vm0;
	v2 =	vadd.f32 v5, v2;
	v4 =	vadd.f32 v9, v4;
	v8 =	vld [tilespmem:s24+$0x4030]  }
0x3e: {  	v6 =	vnsel vm3, $0x0, v16;
	v11 =	vld [tilespmem:s24+$0x4000];
	vm0 =	vlt.f32 v14, $0.0e+00;
	v5 =	vsub.f32 v17, v14;
	v1 =	vmovc v14  }
0x3f: {  	v2 =	vadd.f32 v6, v2;
	v9 =	vld [tilespmem:s24+$0x4020];
	vm3 =	vlt.f32 v7, $0.0e+00;
	v16 =	vsub.f32 v18, v7  }
.Ltmp0:
0x40: {  	vm4 =	vgt.f32 v7, $0.0e+00;
	v13 =	vld [tilespmem:s24+$0x4010];
	vm5 =	vlt.f32 v21, $0.0e+00;
	v6 =	vsub.f32 v15, v21;
	(pc) =	sbr.rel @p0 .LBB2_2-.Ltmp0, $4  }
0x41: {  	v4 =	vadd.f32 v20, v4;
	vm1 =	vmor vm2, vm1;
	v14 =	vld [tilespmem:s24+$0x20];
	v7 =	vand.u32 $0x7FFFFFFF, v16  }
0x42: {  	vm2 =	vgt.f32 v21, $0.0e+00;
	v15 =	vld [tilespmem:s24+$0x10];
	v12 =	vsub.f32 v12, v8;
	v6 =	vand.u32 $0x7FFFFFFF, v6  }
0x43: {  	vm3 =	vmor vm4, vm3;
	vm2 =	vmor vm2, vm5;
	v16 =	vsub.f32 v19, v11  }
0x44: {  	vm6 =	vlt.f32 v8, $0.0e+00;
	vm5 =	vlt.f32 v11, $0.0e+00;
	vm4 =	vgt.f32 v9, $0.0e+00  }
0x45: {  	s23 =	simm.s32 $0x0  }
0x46: {  	[tilespmem:s23], [sflag:$0x1] =	stream.linear.gather [hbm4b:s7+s23], $0x4000, $0x38;
	[tilespmem:$0x10080] =	vst v63  }
0x47: {  	_ = 	snop  }
0x48: {  	[tilespmem:s13], [sflag:$0x2] =	stream.linear.gather [hbm4b:s8+s23], $0x4000, $0x38;
	[tilespmem:$0x10080] =	vst v63  }
0x49: {  	_ =	swait.ge [sflag:s18], $0x4000  }
0x4a: {  	[sflag:s18] =	ssyncset.done $0x0  }
0x4b: {  	[sflag:s18] =	ssyncadd.s32 $0xFFFFC000  }
0x4c: {  	_ =	swait.ge [sflag:s19], $0x4000  }
0x4d: {  	[sflag:s19] =	ssyncset.done $0x0  }
0x4e: {  	v16 =	vand.u32 $0x7FFFFFFF, v16;
	s24 =	simm.s32 $0x0;
	[sflag:s19] =	ssyncadd.s32 $0xFFFFC000  }
0x4f: {  	vm7 =	vgt.f32 v13, $0.0e+00;
	vm9 =	vgt.f32 v8, $0.0e+00;
	v8 =	vsub.f32 v15, v13;
	v15 =	vld [tilespmem:s24+$0x8060]  }
0x50: {  	vm8 =	vgt.f32 v11, $0.0e+00;
	vm10 =	vlt.f32 v13, $0.0e+00;
	v11 =	vsub.f32 v14, v9;
	v13 =	vld [tilespmem:s24+$0x8040]  }
0x51: {  	vm5 =	vmor vm8, vm5;
	vm8 =	vlt.f32 v9, $0.0e+00;
	v9 =	vand.u32 $0x7FFFFFFF, v12;
	v12 =	vld [tilespmem:s24+$0xC050]  }
0x52: {  	v14 =	vnsel vm5, $0x0, v16;
	v16 =	vld [tilespmem:s24+$0x8050]  }
0x53: {  	v10 =	vand.u32 $0x7FFFFFFF, v10;
	v5 =	vand.u32 $0x7FFFFFFF, v5;
	v17 =	vld [tilespmem:s24+$0x8070]  }
0x54: {  	v7 =	vnsel vm3, $0x0, v7;
	v6 =	vnsel vm2, $0x0, v6;
	vm6 =	vmor vm9, vm6;
	v18 =	vld [tilespmem:s24+$0x8000]  }
0x55: {  	v10 =	vnsel vm1, $0x0, v10;
	v9 =	vnsel vm6, $0x0, v9;
	v14 =	vadd.f32 v14, v0;
	v0 =	vld [tilespmem:s24+$0xC060]  }
0x56: {  	vm1 =	vgt.f32 v1, $0.0e+00;
	vm4 =	vmor vm4, vm8;
	v9 =	vadd.f32 v9, v3;
	v19 =	vld [tilespmem:s24+$0xC040]  }
0x57: {  	vm5 =	vmor vm7, vm10;
	v11 =	vand.u32 $0x7FFFFFFF, v11;
	v8 =	vand.u32 $0x7FFFFFFF, v8;
	v20 =	vld [tilespmem:s24+$0xC070]  }
0x58: {  	v11 =	vnsel vm4, $0x0, v11;
	v3 =	vnsel vm5, $0x0, v8;
	v1 =	vadd.f32 v6, v9;
	v6 =	vld [tilespmem:s24+$0x8030]  }
0x59: {  	vm0 =	vmor vm1, vm0;
	v2 =	vadd.f32 v11, v2;
	v4 =	vadd.f32 v3, v4;
	v8 =	vld [tilespmem:s24+$0xC030]  }
0x5a: {  	v5 =	vnsel vm0, $0x0, v5;
	v3 =	vadd.f32 v7, v14;
	v11 =	vld [tilespmem:s24+$0xC000]  }
0x5b: {  	v2 =	vadd.f32 v5, v2;
	v4 =	vadd.f32 v10, v4  }
0x5c: {  	v9 =	vld [tilespmem:s24+$0xC020];
	vm1 =	vlt.f32 v12, $0.0e+00;
	v10 =	vsub.f32 v16, v12;
	vm2 =	vgt.f32 v12, $0.0e+00  }
0x5d: {  	vm0 =	vlt.f32 v0, $0.0e+00;
	v5 =	vsub.f32 v15, v0;
	v7 =	vsub.f32 v13, v19  }
0x5e: {  	vm3 =	vlt.f32 v19, $0.0e+00;
	vm4 =	vgt.f32 v19, $0.0e+00;
	v14 =	vsub.f32 v17, v20;
	v13 =	vld [tilespmem:s24+$0xC010]  }
0x5f: {  	vm5 =	vlt.f32 v20, $0.0e+00;
	v12 =	vsub.f32 v6, v8;
	v16 =	vsub.f32 v18, v11;
	v15 =	vld [tilespmem:s24+$0x8010]  }
0x60: {  	vm6 =	vlt.f32 v8, $0.0e+00;
	vm1 =	vmor vm2, vm1;
	v6 =	vand.u32 $0x7FFFFFFF, v14;
	v14 =	vld [tilespmem:s24+$0x8020]  }
0x61: {  	vm2 =	vgt.f32 v20, $0.0e+00;
	vm3 =	vmor vm4, vm3;
	vm4 =	vgt.f32 v9, $0.0e+00  }
0x62: {  	s23 =	simm.s32 $0x200;
	v7 =	vand.u32 $0x7FFFFFFF, v7;
	vm2 =	vmor vm2, vm5;
	vm5 =	vlt.f32 v11, $0.0e+00  }
.LBB2_4:
0x63: {  	s24 =	sshra.s32 s23, $0x2;
	p0 =	sne.s32 s23, $0xFE00;
	s23 =	sadd.s32 $0x200, s23;
	v16 =	vand.u32 $0x7FFFFFFF, v16;
	vm7 =	vgt.f32 v13, $0.0e+00;
	v10 =	vand.u32 $0x7FFFFFFF, v10  }
0x64: {  	vm8 =	vgt.f32 v11, $0.0e+00;
	vm9 =	vlt.f32 v13, $0.0e+00;
	vm10 =	vgt.f32 v8, $0.0e+00;
	v17 =	vld [tilespmem:s24+$0x8060]  }
0x65: {  	v11 =	vsub.f32 v14, v9;
	vm6 =	vmor vm10, vm6;
	v18 =	vld [tilespmem:s24+$0x8040];
	v8 =	vsub.f32 v15, v13  }
0x66: {  	vm5 =	vmor vm8, vm5;
	vm8 =	vlt.f32 v9, $0.0e+00;
	v9 =	vand.u32 $0x7FFFFFFF, v12;
	v13 =	vld [tilespmem:s24+$0xC050]  }
0x67: {  	v14 =	vnsel vm5, $0x0, v16;
	vm4 =	vmor vm4, vm8;
	v9 =	vnsel vm6, $0x0, v9;
	v12 =	vld [tilespmem:s24+$0x8050]  }
0x68: {  	vm5 =	vmor vm7, vm9;
	v16 =	vand.u32 $0x7FFFFFFF, v5;
	v3 =	vadd.f32 v14, v3;
	v15 =	vld [tilespmem:s24+$0x8070]  }
0x69: {  	v7 =	vnsel vm3, $0x0, v7;
	v5 =	vand.u32 $0x7FFFFFFF, v11;
	v19 =	vld [tilespmem:s24+$0x8000]  }
0x6a: {  	v20 =	vnsel vm1, $0x0, v10;
	v5 =	vnsel vm4, $0x0, v5;
	v3 =	vadd.f32 v7, v3;
	v14 =	vld [tilespmem:s24+$0xC060]  }
0x6b: {  	v6 =	vnsel vm2, $0x0, v6;
	v1 =	vadd.f32 v9, v1;
	v8 =	vand.u32 $0x7FFFFFFF, v8;
	v7 =	vld [tilespmem:s24+$0xC040]  }
0x6c: {  	v9 =	vnsel vm5, $0x0, v8;
	vm1 =	vlt.f32 v13, $0.0e+00;
	v10 =	vsub.f32 v12, v13;
	v21 =	vld [tilespmem:s24+$0xC070]  }
0x6d: {  	vm3 =	vgt.f32 v0, $0.0e+00;
	v1 =	vadd.f32 v6, v1;
	vm2 =	vgt.f32 v13, $0.0e+00;
	v12 =	vld [tilespmem:s24+$0x8030]  }
0x6e: {  	vm3 =	vmor vm3, vm0;
	v2 =	vadd.f32 v5, v2;
	v4 =	vadd.f32 v9, v4;
	v8 =	vld [tilespmem:s24+$0xC030]  }
0x6f: {  	v6 =	vnsel vm3, $0x0, v16;
	v11 =	vld [tilespmem:s24+$0xC000];
	vm0 =	vlt.f32 v14, $0.0e+00;
	v5 =	vsub.f32 v17, v14;
	v0 =	vmovc v14  }
0x70: {  	v2 =	vadd.f32 v6, v2;
	v9 =	vld [tilespmem:s24+$0xC020];
	vm3 =	vlt.f32 v7, $0.0e+00;
	v16 =	vsub.f32 v18, v7  }
.Ltmp1:
0x71: {  	vm4 =	vgt.f32 v7, $0.0e+00;
	v13 =	vld [tilespmem:s24+$0xC010];
	vm5 =	vlt.f32 v21, $0.0e+00;
	v6 =	vsub.f32 v15, v21;
	(pc) =	sbr.rel @p0 .LBB2_4-.Ltmp1, $4  }
0x72: {  	v4 =	vadd.f32 v20, v4;
	vm1 =	vmor vm2, vm1;
	v14 =	vld [tilespmem:s24+$0x8020];
	v7 =	vand.u32 $0x7FFFFFFF, v16  }
0x73: {  	vm2 =	vgt.f32 v21, $0.0e+00;
	v15 =	vld [tilespmem:s24+$0x8010];
	v12 =	vsub.f32 v12, v8;
	v6 =	vand.u32 $0x7FFFFFFF, v6  }
0x74: {  	vm3 =	vmor vm4, vm3;
	vm2 =	vmor vm2, vm5;
	v16 =	vsub.f32 v19, v11  }
0x75: {  	vm6 =	vlt.f32 v8, $0.0e+00;
	vm5 =	vlt.f32 v11, $0.0e+00;
	vm4 =	vgt.f32 v9, $0.0e+00  }
0x76: {  	s23 =	simm.s32 $0x0  }
0x77: {  	[tilespmem:s14], [sflag:$0x3] =	stream.linear.gather [hbm4b:s9+s23], $0x4000, $0x38;
	[tilespmem:$0x10080] =	vst v63  }
0x78: {  	_ = 	snop  }
0x79: {  	[tilespmem:s15], [sflag:$0x4] =	stream.linear.gather [hbm4b:s10+s23], $0x4000, $0x38;
	[tilespmem:$0x10080] =	vst v63  }
0x7a: {  	_ =	swait.ge [sflag:s16], $0x4000  }
0x7b: {  	[sflag:s16] =	ssyncset.done $0x0  }
0x7c: {  	[sflag:s16] =	ssyncadd.s32 $0xFFFFC000  }
0x7d: {  	_ =	swait.ge [sflag:s17], $0x4000  }
0x7e: {  	[sflag:s17] =	ssyncset.done $0x0  }
0x7f: {  	v16 =	vand.u32 $0x7FFFFFFF, v16;
	s24 =	simm.s32 $0x0;
	[sflag:s17] =	ssyncadd.s32 $0xFFFFC000  }
0x80: {  	vm7 =	vgt.f32 v13, $0.0e+00;
	vm9 =	vgt.f32 v8, $0.0e+00;
	v8 =	vsub.f32 v15, v13;
	v15 =	vld [tilespmem:s24+$0x60]  }
0x81: {  	vm8 =	vgt.f32 v11, $0.0e+00;
	vm10 =	vlt.f32 v13, $0.0e+00;
	v11 =	vsub.f32 v14, v9;
	v13 =	vld [tilespmem:s24+$0x40]  }
0x82: {  	vm5 =	vmor vm8, vm5;
	vm8 =	vlt.f32 v9, $0.0e+00;
	v9 =	vand.u32 $0x7FFFFFFF, v12;
	v12 =	vld [tilespmem:s24+$0x4050]  }
0x83: {  	v14 =	vnsel vm5, $0x0, v16;
	v16 =	vld [tilespmem:s24+$0x50]  }
0x84: {  	v10 =	vand.u32 $0x7FFFFFFF, v10;
	vm6 =	vmor vm9, vm6;
	v17 =	vld [tilespmem:s24+$0x70]  }
0x85: {  	v5 =	vand.u32 $0x7FFFFFFF, v5;
	v6 =	vnsel vm2, $0x0, v6;
	v9 =	vnsel vm6, $0x0, v9;
	v18 =	vld [tilespmem:s24+$0x0]  }
0x86: {  	v10 =	vnsel vm1, $0x0, v10;
	vm1 =	vgt.f32 v0, $0.0e+00;
	v9 =	vadd.f32 v9, v1;
	v1 =	vld [tilespmem:s24+$0x4060]  }
0x87: {  	vm4 =	vmor vm4, vm8;
	v11 =	vand.u32 $0x7FFFFFFF, v11;
	v3 =	vadd.f32 v14, v3;
	v14 =	vld [tilespmem:s24+$0x4040]  }
0x88: {  	vm5 =	vmor vm7, vm10;
	v11 =	vnsel vm4, $0x0, v11;
	v8 =	vand.u32 $0x7FFFFFFF, v8;
	v19 =	vld [tilespmem:s24+$0x4070]  }
0x89: {  	v8 =	vnsel vm5, $0x0, v8;
	v0 =	vadd.f32 v11, v2;
	v2 =	vadd.f32 v6, v9;
	v6 =	vld [tilespmem:s24+$0x30]  }
0x8a: {  	v7 =	vnsel vm3, $0x0, v7;
	vm0 =	vmor vm1, vm0;
	v4 =	vadd.f32 v8, v4;
	v8 =	vld [tilespmem:s24+$0x4030]  }
0x8b: {  	v5 =	vnsel vm0, $0x0, v5;
	v3 =	vadd.f32 v7, v3;
	v11 =	vld [tilespmem:s24+$0x4000]  }
0x8c: {  	v0 =	vadd.f32 v5, v0;
	v4 =	vadd.f32 v10, v4  }
0x8d: {  	v9 =	vld [tilespmem:s24+$0x4020];
	vm1 =	vlt.f32 v12, $0.0e+00;
	v10 =	vsub.f32 v16, v12;
	vm2 =	vgt.f32 v12, $0.0e+00  }
0x8e: {  	vm0 =	vlt.f32 v1, $0.0e+00;
	v5 =	vsub.f32 v15, v1;
	v7 =	vsub.f32 v13, v14  }
0x8f: {  	vm3 =	vlt.f32 v14, $0.0e+00;
	vm4 =	vgt.f32 v14, $0.0e+00;
	v14 =	vsub.f32 v17, v19;
	v13 =	vld [tilespmem:s24+$0x4010]  }
0x90: {  	vm5 =	vlt.f32 v19, $0.0e+00;
	v12 =	vsub.f32 v6, v8;
	v16 =	vsub.f32 v18, v11;
	v15 =	vld [tilespmem:s24+$0x10]  }
0x91: {  	vm6 =	vlt.f32 v8, $0.0e+00;
	vm1 =	vmor vm2, vm1;
	v6 =	vand.u32 $0x7FFFFFFF, v14;
	v14 =	vld [tilespmem:s24+$0x20]  }
0x92: {  	vm2 =	vgt.f32 v19, $0.0e+00;
	vm3 =	vmor vm4, vm3;
	vm4 =	vgt.f32 v9, $0.0e+00  }
0x93: {  	s23 =	simm.s32 $0x200;
	v7 =	vand.u32 $0x7FFFFFFF, v7;
	vm2 =	vmor vm2, vm5;
	vm5 =	vlt.f32 v11, $0.0e+00  }
.LBB2_6:
0x94: {  	s24 =	sshra.s32 s23, $0x2;
	p0 =	sne.s32 s23, $0xFE00;
	s23 =	sadd.s32 $0x200, s23;
	v16 =	vand.u32 $0x7FFFFFFF, v16;
	vm7 =	vgt.f32 v13, $0.0e+00;
	v10 =	vand.u32 $0x7FFFFFFF, v10  }
0x95: {  	vm8 =	vgt.f32 v11, $0.0e+00;
	vm9 =	vlt.f32 v13, $0.0e+00;
	vm10 =	vgt.f32 v8, $0.0e+00;
	v17 =	vld [tilespmem:s24+$0x60]  }
0x96: {  	v11 =	vsub.f32 v14, v9;
	vm6 =	vmor vm10, vm6;
	v18 =	vld [tilespmem:s24+$0x40];
	v8 =	vsub.f32 v15, v13  }
0x97: {  	vm5 =	vmor vm8, vm5;
	vm8 =	vlt.f32 v9, $0.0e+00;
	v9 =	vand.u32 $0x7FFFFFFF, v12;
	v13 =	vld [tilespmem:s24+$0x4050]  }
0x98: {  	v14 =	vnsel vm5, $0x0, v16;
	vm4 =	vmor vm4, vm8;
	v9 =	vnsel vm6, $0x0, v9;
	v12 =	vld [tilespmem:s24+$0x50]  }
0x99: {  	vm5 =	vmor vm7, vm9;
	v16 =	vand.u32 $0x7FFFFFFF, v5;
	v3 =	vadd.f32 v14, v3;
	v15 =	vld [tilespmem:s24+$0x70]  }
0x9a: {  	v7 =	vnsel vm3, $0x0, v7;
	v5 =	vand.u32 $0x7FFFFFFF, v11;
	v19 =	vld [tilespmem:s24+$0x0]  }
0x9b: {  	v20 =	vnsel vm1, $0x0, v10;
	v5 =	vnsel vm4, $0x0, v5;
	v3 =	vadd.f32 v7, v3;
	v14 =	vld [tilespmem:s24+$0x4060]  }
0x9c: {  	v6 =	vnsel vm2, $0x0, v6;
	v2 =	vadd.f32 v9, v2;
	v8 =	vand.u32 $0x7FFFFFFF, v8;
	v7 =	vld [tilespmem:s24+$0x4040]  }
0x9d: {  	v9 =	vnsel vm5, $0x0, v8;
	vm1 =	vlt.f32 v13, $0.0e+00;
	v10 =	vsub.f32 v12, v13;
	v21 =	vld [tilespmem:s24+$0x4070]  }
0x9e: {  	vm3 =	vgt.f32 v1, $0.0e+00;
	v2 =	vadd.f32 v6, v2;
	vm2 =	vgt.f32 v13, $0.0e+00;
	v12 =	vld [tilespmem:s24+$0x30]  }
0x9f: {  	vm3 =	vmor vm3, vm0;
	v0 =	vadd.f32 v5, v0;
	v4 =	vadd.f32 v9, v4;
	v8 =	vld [tilespmem:s24+$0x4030]  }
0xa0: {  	v6 =	vnsel vm3, $0x0, v16;
	v11 =	vld [tilespmem:s24+$0x4000];
	vm0 =	vlt.f32 v14, $0.0e+00;
	v5 =	vsub.f32 v17, v14;
	v1 =	vmovc v14  }
0xa1: {  	v0 =	vadd.f32 v6, v0;
	v9 =	vld [tilespmem:s24+$0x4020];
	vm3 =	vlt.f32 v7, $0.0e+00;
	v16 =	vsub.f32 v18, v7  }
.Ltmp2:
0xa2: {  	vm4 =	vgt.f32 v7, $0.0e+00;
	v13 =	vld [tilespmem:s24+$0x4010];
	vm5 =	vlt.f32 v21, $0.0e+00;
	v6 =	vsub.f32 v15, v21;
	(pc) =	sbr.rel @p0 .LBB2_6-.Ltmp2, $4  }
0xa3: {  	v4 =	vadd.f32 v20, v4;
	vm1 =	vmor vm2, vm1;
	v14 =	vld [tilespmem:s24+$0x20];
	v7 =	vand.u32 $0x7FFFFFFF, v16  }
0xa4: {  	vm2 =	vgt.f32 v21, $0.0e+00;
	v15 =	vld [tilespmem:s24+$0x10];
	v12 =	vsub.f32 v12, v8;
	v6 =	vand.u32 $0x7FFFFFFF, v6  }
0xa5: {  	vm3 =	vmor vm4, vm3;
	vm2 =	vmor vm2, vm5;
	v16 =	vsub.f32 v19, v11  }
0xa6: {  	vm6 =	vlt.f32 v8, $0.0e+00;
	vm5 =	vlt.f32 v11, $0.0e+00;
	vm4 =	vgt.f32 v9, $0.0e+00  }
0xa7: {  	_ =	swait.ge [sflag:s18], $0x4000  }
0xa8: {  	[sflag:s18] =	ssyncset.done $0x0  }
0xa9: {  	[sflag:s18] =	ssyncadd.s32 $0xFFFFC000  }
0xaa: {  	_ =	swait.ge [sflag:s19], $0x4000  }
0xab: {  	[sflag:s19] =	ssyncset.done $0x0  }
0xac: {  	v16 =	vand.u32 $0x7FFFFFFF, v16;
	s24 =	simm.s32 $0x0;
	[sflag:s19] =	ssyncadd.s32 $0xFFFFC000  }
0xad: {  	vm7 =	vgt.f32 v13, $0.0e+00;
	vm9 =	vgt.f32 v8, $0.0e+00;
	v8 =	vsub.f32 v15, v13;
	v15 =	vld [tilespmem:s24+$0x8060]  }
0xae: {  	vm8 =	vgt.f32 v11, $0.0e+00;
	vm10 =	vlt.f32 v13, $0.0e+00;
	v11 =	vsub.f32 v14, v9;
	v13 =	vld [tilespmem:s24+$0x8040]  }
0xaf: {  	vm5 =	vmor vm8, vm5;
	vm8 =	vlt.f32 v9, $0.0e+00;
	v9 =	vand.u32 $0x7FFFFFFF, v12;
	v12 =	vld [tilespmem:s24+$0xC050]  }
0xb0: {  	v14 =	vnsel vm5, $0x0, v16;
	v16 =	vld [tilespmem:s24+$0x8050]  }
0xb1: {  	v10 =	vand.u32 $0x7FFFFFFF, v10;
	vm6 =	vmor vm9, vm6;
	v17 =	vld [tilespmem:s24+$0x8070]  }
0xb2: {  	v5 =	vand.u32 $0x7FFFFFFF, v5;
	v7 =	vnsel vm3, $0x0, v7;
	v9 =	vnsel vm6, $0x0, v9;
	v18 =	vld [tilespmem:s24+$0x8000]  }
0xb3: {  	v6 =	vnsel vm2, $0x0, v6;
	v10 =	vnsel vm1, $0x0, v10;
	v9 =	vadd.f32 v9, v2;
	v2 =	vld [tilespmem:s24+$0xC060]  }
0xb4: {  	vm1 =	vgt.f32 v1, $0.0e+00;
	vm4 =	vmor vm4, vm8;
	v3 =	vadd.f32 v14, v3;
	v14 =	vld [tilespmem:s24+$0xC040]  }
0xb5: {  	vm5 =	vmor vm7, vm10;
	v11 =	vand.u32 $0x7FFFFFFF, v11;
	v8 =	vand.u32 $0x7FFFFFFF, v8;
	v19 =	vld [tilespmem:s24+$0xC070]  }
0xb6: {  	v11 =	vnsel vm4, $0x0, v11;
	v8 =	vnsel vm5, $0x0, v8;
	v1 =	vadd.f32 v6, v9;
	v6 =	vld [tilespmem:s24+$0x8030]  }
0xb7: {  	vm0 =	vmor vm1, vm0;
	v0 =	vadd.f32 v11, v0;
	v4 =	vadd.f32 v8, v4;
	v8 =	vld [tilespmem:s24+$0xC030]  }
0xb8: {  	v5 =	vnsel vm0, $0x0, v5;
	v3 =	vadd.f32 v7, v3;
	v11 =	vld [tilespmem:s24+$0xC000]  }
0xb9: {  	v0 =	vadd.f32 v5, v0;
	v4 =	vadd.f32 v10, v4  }
0xba: {  	vm1 =	vlt.f32 v12, $0.0e+00;
	v9 =	vsub.f32 v16, v12;
	vm2 =	vgt.f32 v12, $0.0e+00  }
0xbb: {  	v10 =	vld [tilespmem:s24+$0xC020];
	vm0 =	vlt.f32 v2, $0.0e+00;
	v5 =	vsub.f32 v15, v2;
	v7 =	vsub.f32 v13, v14  }
0xbc: {  	vm3 =	vlt.f32 v14, $0.0e+00;
	vm4 =	vgt.f32 v14, $0.0e+00;
	v14 =	vsub.f32 v17, v19;
	v12 =	vld [tilespmem:s24+$0xC010]  }
0xbd: {  	vm5 =	vlt.f32 v19, $0.0e+00;
	v13 =	vsub.f32 v6, v8;
	v16 =	vsub.f32 v18, v11;
	v15 =	vld [tilespmem:s24+$0x8010]  }
0xbe: {  	vm6 =	vlt.f32 v8, $0.0e+00;
	vm1 =	vmor vm2, vm1;
	v6 =	vand.u32 $0x7FFFFFFF, v14;
	v14 =	vld [tilespmem:s24+$0x8020]  }
0xbf: {  	vm2 =	vgt.f32 v19, $0.0e+00;
	vm3 =	vmor vm4, vm3;
	v7 =	vand.u32 $0x7FFFFFFF, v7  }
0xc0: {  	s23 =	simm.s32 $0x200;
	vm2 =	vmor vm2, vm5;
	vm5 =	vlt.f32 v11, $0.0e+00;
	vm4 =	vgt.f32 v10, $0.0e+00  }
.LBB2_8:
0xc1: {  	s24 =	sshra.s32 s23, $0x2;
	p0 =	sne.s32 s23, $0xFE00;
	s23 =	sadd.s32 $0x200, s23;
	v16 =	vand.u32 $0x7FFFFFFF, v16;
	vm7 =	vgt.f32 v12, $0.0e+00;
	v9 =	vand.u32 $0x7FFFFFFF, v9  }
0xc2: {  	vm8 =	vgt.f32 v11, $0.0e+00;
	vm9 =	vlt.f32 v12, $0.0e+00;
	vm10 =	vgt.f32 v8, $0.0e+00;
	v17 =	vld [tilespmem:s24+$0x8060]  }
0xc3: {  	v11 =	vsub.f32 v14, v10;
	vm6 =	vmor vm10, vm6;
	v18 =	vld [tilespmem:s24+$0x8040];
	v8 =	vsub.f32 v15, v12  }
0xc4: {  	vm5 =	vmor vm8, vm5;
	vm8 =	vlt.f32 v10, $0.0e+00;
	v10 =	vand.u32 $0x7FFFFFFF, v13;
	v12 =	vld [tilespmem:s24+$0xC050]  }
0xc5: {  	v14 =	vnsel vm5, $0x0, v16;
	vm4 =	vmor vm4, vm8;
	v10 =	vnsel vm6, $0x0, v10;
	v13 =	vld [tilespmem:s24+$0x8050]  }
0xc6: {  	vm5 =	vmor vm7, vm9;
	v16 =	vand.u32 $0x7FFFFFFF, v5;
	v3 =	vadd.f32 v14, v3;
	v15 =	vld [tilespmem:s24+$0x8070]  }
0xc7: {  	v7 =	vnsel vm3, $0x0, v7;
	v5 =	vand.u32 $0x7FFFFFFF, v11;
	v19 =	vld [tilespmem:s24+$0x8000]  }
0xc8: {  	v20 =	vnsel vm1, $0x0, v9;
	v5 =	vnsel vm4, $0x0, v5;
	v3 =	vadd.f32 v7, v3;
	v14 =	vld [tilespmem:s24+$0xC060]  }
0xc9: {  	v6 =	vnsel vm2, $0x0, v6;
	v1 =	vadd.f32 v10, v1;
	v8 =	vand.u32 $0x7FFFFFFF, v8;
	v7 =	vld [tilespmem:s24+$0xC040]  }
0xca: {  	v10 =	vnsel vm5, $0x0, v8;
	vm1 =	vlt.f32 v12, $0.0e+00;
	v9 =	vsub.f32 v13, v12;
	v21 =	vld [tilespmem:s24+$0xC070]  }
0xcb: {  	vm3 =	vgt.f32 v2, $0.0e+00;
	v1 =	vadd.f32 v6, v1;
	vm2 =	vgt.f32 v12, $0.0e+00;
	v13 =	vld [tilespmem:s24+$0x8030]  }
0xcc: {  	vm3 =	vmor vm3, vm0;
	v0 =	vadd.f32 v5, v0;
	v4 =	vadd.f32 v10, v4;
	v8 =	vld [tilespmem:s24+$0xC030]  }
0xcd: {  	v6 =	vnsel vm3, $0x0, v16;
	v11 =	vld [tilespmem:s24+$0xC000];
	vm0 =	vlt.f32 v14, $0.0e+00;
	v5 =	vsub.f32 v17, v14;
	v2 =	vmovc v14  }
0xce: {  	v0 =	vadd.f32 v6, v0;
	v10 =	vld [tilespmem:s24+$0xC020];
	vm3 =	vlt.f32 v7, $0.0e+00;
	v16 =	vsub.f32 v18, v7  }
.Ltmp3:
0xcf: {  	vm4 =	vgt.f32 v7, $0.0e+00;
	v12 =	vld [tilespmem:s24+$0xC010];
	vm5 =	vlt.f32 v21, $0.0e+00;
	v6 =	vsub.f32 v15, v21;
	(pc) =	sbr.rel @p0 .LBB2_8-.Ltmp3, $4  }
0xd0: {  	v4 =	vadd.f32 v20, v4;
	vm1 =	vmor vm2, vm1;
	v14 =	vld [tilespmem:s24+$0x8020];
	v7 =	vand.u32 $0x7FFFFFFF, v16  }
0xd1: {  	vm2 =	vgt.f32 v21, $0.0e+00;
	v15 =	vld [tilespmem:s24+$0x8010];
	v13 =	vsub.f32 v13, v8;
	v6 =	vand.u32 $0x7FFFFFFF, v6  }
0xd2: {  	vm3 =	vmor vm4, vm3;
	vm2 =	vmor vm2, vm5;
	v16 =	vsub.f32 v19, v11  }
0xd3: {  	vm6 =	vlt.f32 v8, $0.0e+00;
	vm5 =	vlt.f32 v11, $0.0e+00;
	vm4 =	vgt.f32 v10, $0.0e+00  }
0xd4: {  	v16 =	vand.u32 $0x7FFFFFFF, v16;
	vm7 =	vgt.f32 v12, $0.0e+00;
	v9 =	vand.u32 $0x7FFFFFFF, v9  }
0xd5: {  	vm8 =	vgt.f32 v11, $0.0e+00;
	vm9 =	vlt.f32 v12, $0.0e+00;
	vm10 =	vgt.f32 v8, $0.0e+00  }
0xd6: {  	vm13 =	vlt.f32 v10, $0.0e+00;
	v60 =	vand.u32 $0x7FFFFFFF, v13;
	v5 =	vand.u32 $0x7FFFFFFF, v5  }
0xd7: {  	v7 =	vnsel vm3, $0x0, v7;
	v6 =	vnsel vm2, $0x0, v6;
	vm15 =	vgt.f32 v2, $0.0e+00  }
0xd8: {  	v59 =	vsub.f32 v14, v10;
	vm6 =	vmor vm10, vm6;
	vm5 =	vmor vm8, vm5  }
0xd9: {  	vm4 =	vmor vm4, vm13;
	vm14 =	vmor vm7, vm9;
	v58 =	vsub.f32 v15, v12  }
0xda: {  	v9 =	vnsel vm1, $0x0, v9;
	v61 =	vnsel vm5, $0x0, v16;
	v10 =	vnsel vm6, $0x0, v60  }
0xdb: {  	v11 =	vand.u32 $0x7FFFFFFF, v59;
	v3 =	vadd.f32 v61, v3;
	v8 =	vand.u32 $0x7FFFFFFF, v58  }
0xdc: {  	v1 =	vadd.f32 v10, v1;
	v11 =	vnsel vm4, $0x0, v11;
	v8 =	vnsel vm14, $0x0, v8  }
0xdd: {  	vm0 =	vmor vm15, vm0;
	v0 =	vadd.f32 v11, v0;
	v62 =	vadd.f32 v8, v4  }
0xde: {  	v63 =	vnsel vm0, $0x0, v5;
	v3 =	vadd.f32 v7, v3;
	v1 =	vadd.f32 v6, v1  }
0xdf: {  	v0 =	vadd.f32 v63, v0;
	v2 =	vadd.f32 v9, v62;
	_ =	sdelay $0x1  }
0xe0: {  	v0 =	vadd.f32 v1, v0;
	v2 =	vadd.f32 v2, v3;
	_ =	sdelay $0x1  }
0xe1: {  	s22 =	sadd.s32 $0x1, s22;
	v0 =	vadd.f32 v0, v2  }
0xe2: {  	p0 =	sne.s32 s22, s12  }
.Ltmp4:
0xe3: {  	[tilespmem:$0x10000] =	vst v0;
	(pc) =	sbr.rel @p0 .LBB2_1-.Ltmp4, $4  }
0xe4: {  	[hbm4b:s11+s2] =	stream.linear.scatter [tilespmem:s20], [sflag:$0x5], $0x80, $0x38;
	[tilespmem:$0x10080] =	vst v63  }
0xe5: {  	_ =	swait.ge [sflag:s21], $0x80  }
0xe6: {  	[sflag:s21] =	ssyncset.done $0x0  }
0xe7: {  	[sflag:s21] =	ssyncadd.s32 $0xFFFFFF80  }
0xe8: {  	_ =	sfence.sel $0x180000  }
0xe9: {  	[bflag:$0x0] =	sbarrier.arrive $0xFFFF  }
0xea: {  	p0 =	sne.s32 s1, $0x0;
	_ =	strace $0x90000047  }
0xeb: {  	s0 =	sadd.s32 @!p0 $0x100000, s0;
	[bflag:$0x2] =	sbarrier.arrive $0xFFFF  }
0xec: {  	[sflag:s0] =	ssyncadd.tile.s32 @!p0 $0x1;
	_ =	shalt  }
.Lfunc_end2:
_tile_overlayer_lowered:
.L_overlay_start_2:
0xed: {  	(tag) =	ssettag $0x2  }
0xee: {  	s0 =	rddreg [dreg:$0x0];
	s2 =	stileid.u32  }
0xef: {  	s1 =	rddreg [dreg:$0x1];
	p0 =	sne.s32 s2, $0x0  }
0xf0: {  	s3 =	rddreg [dreg:$0x2];
	[bflag:$0x3] =	sbarrier.arrive $0xFFFF;
	s2 =	simm.s32 @!p0 $0x1C05  }
0xf1: {  	[timem:s3], [sflag:s2] =	dma.local @!p0 [hbm:s0], s1  }
0xf2: {  	s0 =	simm.s32 @!p0 $0x5  }
0xf3: {  	_ =	swait.ge @!p0 [sflag:s0], s1  }
0xf4: {  	s1 =	ssub.s32 @!p0 $0x0, s1;
	[sflag:s0] =	ssyncset.done @!p0 $0x0  }
0xf5: {  	[sflag:s0] =	ssyncadd.s32 @!p0 s1  }
0xf6: {  	[bflag:$0x3] =	sbarrier.arrive $0xFFFF  }
0xf7: {  	_ =	shalt  }

</sc_bundles>
